<compile_context>
chip_gen: v7x
topology: tpu7x:2x2x1
jax: 0.10.2.dev20260603
libtpu: 0.0.44.dev20260713+nightly
codegen_flags: <defaults>
</compile_context>

<pallas_src>
import functools
import jax
import jax.numpy as jnp
from jax import lax
from jax.experimental import pallas as pl
from jax.experimental.pallas import tpu as pltpu
from jax.experimental.pallas import tpu_sc as plsc

_NC = 2
_NS = 16
_NW = _NC * _NS
_CHUNK = 128


def _tables_body(x_ref, pos_ref, vel_ref, ws_ref, wd_ref, s_ref, t_ref):
    x = x_ref[...]
    pv = jnp.concatenate([pos_ref[...], vel_ref[...]], axis=1)
    pad = jnp.zeros((x.shape[0], 12), jnp.float32)
    s_ref[...] = jnp.concatenate([x @ ws_ref[...], pv, pad], axis=1)
    t_ref[...] = jnp.concatenate([x @ wd_ref[...], pv, pad], axis=1)


def _build_tables(x, pos, vel, w_src, w_dst, bn):
    n = x.shape[0]
    grid = (n + bn - 1) // bn
    return pl.pallas_call(
        _tables_body,
        grid=(grid,),
        in_specs=[
            pl.BlockSpec((bn, 128), lambda i: (i, 0)),
            pl.BlockSpec((bn, 2), lambda i: (i, 0)),
            pl.BlockSpec((bn, 2), lambda i: (i, 0)),
            pl.BlockSpec((128, 48), lambda i: (0, 0)),
            pl.BlockSpec((128, 48), lambda i: (0, 0)),
        ],
        out_specs=[
            pl.BlockSpec((bn, 64), lambda i: (i, 0)),
            pl.BlockSpec((bn, 64), lambda i: (i, 0)),
        ],
        out_shape=[
            jax.ShapeDtypeStruct((n, 64), jnp.float32),
            jax.ShapeDtypeStruct((n, 64), jnp.float32),
        ],
    )(x, pos, vel, w_src, w_dst)


def _make_gather(epad, ew):
    niter = ew // _CHUNK
    n2 = niter // 2
    mesh = plsc.VectorSubcoreMesh(core_axis_name="c", subcore_axis_name="s")

    @functools.partial(
        pl.kernel,
        mesh=mesh,
        out_type=(jax.ShapeDtypeStruct((epad, 64), jnp.float32),
                  jax.ShapeDtypeStruct((epad, 64), jnp.float32)),
        scratch_types=[
            pltpu.VMEM((_CHUNK, 64), jnp.float32),
            pltpu.VMEM((_CHUNK, 64), jnp.float32),
            pltpu.VMEM((_CHUNK, 64), jnp.float32),
            pltpu.VMEM((_CHUNK, 64), jnp.float32),
            pltpu.VMEM((_CHUNK,), jnp.int32),
            pltpu.VMEM((_CHUNK,), jnp.int32),
            pltpu.VMEM((_CHUNK,), jnp.int32),
            pltpu.VMEM((_CHUNK,), jnp.int32),
            pltpu.SemaphoreType.DMA,
            pltpu.SemaphoreType.DMA,
            pltpu.SemaphoreType.DMA,
            pltpu.SemaphoreType.DMA,
        ],
        compiler_params=pltpu.CompilerParams(use_tc_tiling_on_sc=False),
    )
    def gather_kernel(s_hbm, t_hbm, src2, dst2, out_s, out_t,
                      bufs0, buft0, bufs1, buft1,
                      ixs0, ixt0, ixs1, ixt1,
                      semg0, semg1, semw0, semw1):
        wid = lax.axis_index("s") * _NC + lax.axis_index("c")
        row0 = wid * niter
        outbase = wid * ew

        def g_start(i, bs, bt, ixs, ixt, sg):
            pltpu.sync_copy(src2.at[row0 + i], ixs)
            pltpu.sync_copy(dst2.at[row0 + i], ixt)
            pltpu.async_copy(s_hbm.at[ixs], bs, sg)
            pltpu.async_copy(t_hbm.at[ixt], bt, sg)

        def g_wait(i, bs, bt, ixs, ixt, sg):
            pltpu.make_async_copy(s_hbm.at[ixs], bs, sg).wait()
            pltpu.make_async_copy(t_hbm.at[ixt], bt, sg).wait()

        def w_start(i, bs, bt, sw):
            r = outbase + i * _CHUNK
            pltpu.async_copy(bs, out_s.at[pl.ds(r, _CHUNK)], sw)
            pltpu.async_copy(bt, out_t.at[pl.ds(r, _CHUNK)], sw)

        def w_wait(i, bs, bt, sw):
            r = outbase + i * _CHUNK
            pltpu.make_async_copy(bs, out_s.at[pl.ds(r, _CHUNK)], sw).wait()
            pltpu.make_async_copy(bt, out_t.at[pl.ds(r, _CHUNK)], sw).wait()

        def step(i, carry):
            g_start(i, bufs0, buft0, ixs0, ixt0, semg0)
            g_wait(i, bufs0, buft0, ixs0, ixt0, semg0)
            r = outbase + i * _CHUNK
            pltpu.sync_copy(bufs0, out_s.at[pl.ds(r, _CHUNK)])
            pltpu.sync_copy(buft0, out_t.at[pl.ds(r, _CHUNK)])
            return carry

        lax.fori_loop(0, niter, step, 0)

    return gather_kernel


def _edge_body(e_true, br, uws_ref, uwt_ref, wc0_ref, wc1_ref, be1_ref,
               we2t_ref, be2_ref, vc0_ref, vc1_ref, bv1_ref, wv2t_ref,
               bv2_ref, out_ref):
    xst = uws_ref[...].T
    xtt = uwt_ref[...].T
    col = lax.broadcasted_iota(jnp.int32, (1, br), 1) + pl.program_id(0) * br
    groups = []
    for g in range(4):
        s = xst[64 * g:64 * g + 52]
        t = xtt[64 * g:64 * g + 52]
        relp = s[48:50] - t[48:50]
        relv = s[50:52] - t[50:52]
        ds = jnp.sum(relp * relp, axis=0, keepdims=True)
        dv = jnp.sum(relv * relp, axis=0, keepdims=True)
        u = s[0:32] + t[0:32] + wc0_ref[...] * ds + wc1_ref[...] * dv \
            + be1_ref[...]
        gu = u * jax.nn.sigmoid(u)
        mh = we2t_ref[...] @ gu + be2_ref[...]
        w = s[32:48] + t[32:48] + vc0_ref[...] * ds + vc1_ref[...] * dv \
            + bv1_ref[...]
        gv = w * jax.nn.sigmoid(w)
        vw = wv2t_ref[...] @ gv + bv2_ref[...]
        mv = vw * relp
        rows = jnp.concatenate(
            [mh, mv, jnp.zeros((14, br), jnp.float32)], axis=0)
        valid = (4 * col + g) < e_true
        groups.append(jnp.where(valid, rows, 0.0))
    out_ref[...] = jnp.concatenate(groups, axis=0).T


def _edge_mlp(uws, uwt, wc, be1, We2, be2, vc, bv1, Wv2, bv2, e_true, br):
    rows4 = uws.shape[0]
    grid = rows4 // br
    small = lambda r, c: pl.BlockSpec((r, c), lambda i: (0, 0))
    return pl.pallas_call(
        functools.partial(_edge_body, e_true, br),
        grid=(grid,),
        in_specs=[
            pl.BlockSpec((br, 256), lambda i: (i, 0)),
            pl.BlockSpec((br, 256), lambda i: (i, 0)),
            small(32, 1), small(32, 1), small(32, 1),
            small(16, 32), small(16, 1),
            small(16, 1), small(16, 1), small(16, 1),
            small(1, 16), small(1, 1),
        ],
        out_specs=pl.BlockSpec((br, 128), lambda i: (i, 0)),
        out_shape=jax.ShapeDtypeStruct((rows4, 128), jnp.float32),
    )(uws, uwt,
      wc[0].reshape(32, 1), wc[1].reshape(32, 1), be1.reshape(32, 1),
      We2.T, be2.reshape(16, 1),
      vc[0].reshape(16, 1), vc[1].reshape(16, 1), bv1.reshape(16, 1),
      Wv2.reshape(1, 16), bv2.reshape(1, 1))


def _make_scatter(n, epad, ew):
    niter = ew // _CHUNK
    n2 = niter // 2
    mesh = plsc.VectorSubcoreMesh(core_axis_name="c", subcore_axis_name="s")

    @functools.partial(
        pl.kernel,
        mesh=mesh,
        out_type=jax.ShapeDtypeStruct((2, n, 32), jnp.float32),
        scratch_types=[
            pltpu.VMEM((niter, _CHUNK), jnp.int32),
            pltpu.VMEM((_CHUNK, 32), jnp.float32),
            pltpu.VMEM((_CHUNK, 32), jnp.float32),
            pltpu.VMEM_SHARED((n, 32), jnp.float32),
            pltpu.SemaphoreType.DMA,
            pltpu.SemaphoreType.DMA,
            pltpu.SemaphoreType.DMA,
            pltpu.SemaphoreType.DMA,
        ],
        compiler_params=pltpu.CompilerParams(use_tc_tiling_on_sc=False),
    )
    def scatter_kernel(m_hbm, dst2, z_hbm, out_hbm,
                       idx2, bufm0, bufm1, acc, sl0, sl1, sa0, sa1):
        cid = lax.axis_index("c")
        sid = lax.axis_index("s")
        wid = sid * _NC + cid

        @pl.when(sid == 0)
        def _init():
            pltpu.sync_copy(z_hbm, acc)

        plsc.subcore_barrier()
        pltpu.sync_copy(dst2.at[pl.ds(wid * niter, niter)], idx2)
        mrow0 = wid * ew

        def l_start(i, bm, s):
            pltpu.async_copy(m_hbm.at[pl.ds(mrow0 + i * _CHUNK, _CHUNK)],
                             bm, s)

        def l_wait(i, bm, s):
            pltpu.make_async_copy(
                m_hbm.at[pl.ds(mrow0 + i * _CHUNK, _CHUNK)], bm, s).wait()

        def a_start(i, bm, s):
            pltpu.async_copy(bm, acc.at[idx2.at[i]], s, add=True)

        def a_wait(i, bm, s):
            pltpu.make_async_copy(bm, acc.at[idx2.at[i]], s).wait()

        def step(i, carry):
            l_start(i, bufm0, sl0)
            l_wait(i, bufm0, sl0)
            a_start(i, bufm0, sa0)
            a_wait(i, bufm0, sa0)
            return carry

        lax.fori_loop(0, niter, step, 0)
        plsc.subcore_barrier()

        @pl.when(sid == 0)
        def _writeout():
            pltpu.sync_copy(acc, out_hbm.at[cid])

    return scatter_kernel


def _node_body(x_ref, acc_ref, wh1a_ref, wh1b_ref, wh1c_ref, bh1_ref,
               wh2_ref, bh2_ref, out_ref):
    x = x_ref[...]
    m = acc_ref[0] + acc_ref[1]
    mh = m[:, 0:16]
    mv = m[:, 16:18]
    nrm = jnp.sqrt(jnp.sum(mv * mv, axis=1, keepdims=True))
    hp = (x @ wh1a_ref[...] + mh @ wh1b_ref[...]
          + nrm * wh1c_ref[...] + bh1_ref[...])
    g = hp * jax.nn.sigmoid(hp)
    out_ref[...] = x + g @ wh2_ref[...] + bh2_ref[...]


def _node_mlp(x, acc, wh1a, wh1b, wh1c, bh1, wh2, bh2, bn):
    n = x.shape[0]
    grid = (n + bn - 1) // bn
    return pl.pallas_call(
        _node_body,
        grid=(grid,),
        in_specs=[
            pl.BlockSpec((bn, 128), lambda i: (i, 0)),
            pl.BlockSpec((2, bn, 32), lambda i: (0, i, 0)),
            pl.BlockSpec((128, 16), lambda i: (0, 0)),
            pl.BlockSpec((16, 16), lambda i: (0, 0)),
            pl.BlockSpec((1, 16), lambda i: (0, 0)),
            pl.BlockSpec((1, 16), lambda i: (0, 0)),
            pl.BlockSpec((16, 128), lambda i: (0, 0)),
            pl.BlockSpec((1, 128), lambda i: (0, 0)),
        ],
        out_specs=pl.BlockSpec((bn, 128), lambda i: (i, 0)),
        out_shape=jax.ShapeDtypeStruct((n, 128), jnp.float32),
    )(x, acc, wh1a, wh1b, wh1c, bh1, wh2, bh2)


def kernel(x, pos, vel, edge_index, We1, be1, We2, be2,
           Wv1, bv1, Wv2, bv2, Wh1, bh1, Wh2, bh2):
    n, d = x.shape
    e_true = edge_index.shape[1]

    per_w = -(-e_true // _NW)
    ew = -(-per_w // _CHUNK) * _CHUNK
    epad = ew * _NW
    src = jnp.pad(edge_index[0], (0, epad - e_true)).reshape(-1, _CHUNK)
    dst = jnp.pad(edge_index[1], (0, epad - e_true)).reshape(-1, _CHUNK)

    w_dst = jnp.concatenate([We1[0:d], Wv1[0:d]], axis=1)
    w_src = jnp.concatenate([We1[d:2 * d], Wv1[d:2 * d]], axis=1)
    wc = We1[2 * d:2 * d + 2]
    vc = Wv1[2 * d:2 * d + 2]

    s_tab, t_tab = _build_tables(x, pos, vel, w_src, w_dst, bn=2000)

    uws, uwt = _make_gather(epad, ew)(s_tab, t_tab, src, dst)

    msg = _edge_mlp(uws.reshape(-1, 256), uwt.reshape(-1, 256),
                    wc, be1, We2, be2, vc, bv1, Wv2, bv2, e_true, br=512)

    zeros = jnp.zeros((n, 32), jnp.float32)
    acc = _make_scatter(n, epad, ew)(msg.reshape(-1, 32), dst, zeros)

    out = _node_mlp(x, acc, Wh1[0:d], Wh1[d:d + 16], Wh1[d + 16:d + 17],
                    bh1.reshape(1, 16), Wh2, bh2.reshape(1, 128), bn=2000)
    return out

# --- scband reference (transcript-rebuilt; emitter-appended) ---
"""Pipeline reference for scband-optimized-discovery-engine-model-31267361915479 (READ-ONLY COPY).

The authoritative reference and input builder live on the scoring server;
editing this copy changes nothing except your own understanding.
"""

import jax, jax.numpy as jnp
import numpy as np

def silu(v):
    return v * jax.nn.sigmoid(v)

def setup_inputs(seed: int = 0) -> dict:
    key = jax.random.key(seed)
    ks = jax.random.split(key, 20)
    N, E, d, h = 10000, 320000, 128, 32
    x = jax.random.normal(ks[0], (N, d), dtype=jnp.float32)
    pos = jax.random.normal(ks[1], (N, 2), dtype=jnp.float32)
    vel = jax.random.normal(ks[2], (N, 2), dtype=jnp.float32)
    edge_index = jax.random.randint(ks[3], (2, E), 0, N, dtype=jnp.int32)
    def lin(k, fin, fout):
        bound = 1.0 / np.sqrt(fin)
        k1, k2 = jax.random.split(k)
        W = jax.random.uniform(k1, (fin, fout), minval=-bound, maxval=bound, dtype=jnp.float32)
        b = jax.random.uniform(k2, (fout,), minval=-bound, maxval=bound, dtype=jnp.float32)
        return W, b
    # phi_e: Linear(2*128+2 -> 32), SiLU, Linear(32 -> 16)
    We1, be1 = lin(ks[4], 2 * d + 2, h)
    We2, be2 = lin(ks[5], h, h // 2)
    # phi_v: Linear(2*128+2 -> 16), SiLU, Linear(16 -> 1)
    Wv1, bv1 = lin(ks[6], 2 * d + 2, h // 2)
    Wv2, bv2 = lin(ks[7], h // 2, 1)
    # phi_h: Linear(128+16+1 -> 16), SiLU, Linear(16 -> 128)
    Wh1, bh1 = lin(ks[8], d + h // 2 + 1, h // 2)
    Wh2, bh2 = lin(ks[9], h // 2, d)
    return {"x": x, "pos": pos, "vel": vel, "edge_index": edge_index,
            "We1": We1, "be1": be1, "We2": We2, "be2": be2,
            "Wv1": Wv1, "bv1": bv1, "Wv2": Wv2, "bv2": bv2,
            "Wh1": Wh1, "bh1": bh1, "Wh2": Wh2, "bh2": bh2}

def reference(x, pos, vel, edge_index, We1, be1, We2, be2, Wv1, bv1, Wv2, bv2, Wh1, bh1, Wh2, bh2):
    src = edge_index[0]
    dst = edge_index[1]
    rel_pos = pos[src] - pos[dst]
    rel_vel = vel[src] - vel[dst]
    dist_sq = jnp.sum(rel_pos ** 2, axis=-1, keepdims=True)
    dot_vr = jnp.sum(rel_vel * rel_pos, axis=-1, keepdims=True)
    x_i = x[dst]
    x_j = x[src]
    tmp = jnp.concatenate([x_i, x_j, dist_sq, dot_vr], axis=1)
    m_h_e = silu(tmp @ We1 + be1) @ We2 + be2
    v_w = silu(tmp @ Wv1 + bv1) @ Wv2 + bv2
    m_v_e = v_w * rel_pos
    N = x.shape[0]
    m_h = jax.ops.segment_sum(m_h_e, dst, num_segments=N)
    m_v = jax.ops.segment_sum(m_v_e, dst, num_segments=N)
    m_v_norm = jnp.linalg.norm(m_v, axis=-1, keepdims=True)
    h_in = jnp.concatenate([x, m_h, m_v_norm], axis=-1)
    h_update = silu(h_in @ Wh1 + bh1) @ Wh2 + bh2
    return x + h_update

if __name__ == "__main__":
    import jax
    _d = setup_inputs()
    print(jax.jit(kernel)(*tuple(_d.values())))

</pallas_src>

<mosaic_0001>
#map = affine_map<(d0, d1) -> (0, 0)>
#map1 = affine_map<(d0, d1) -> (0, 0, 0)>
module attributes {stable_mosaic.version = 14 : i64} {
  func.func @scatter_kernel(%arg0: i32, %arg1: i32, %arg2: memref<323584x32xf32, #tpu.memory_space<hbm>>, %arg3: memref<2528x128xi32, #tpu.memory_space<hbm>>, %arg4: memref<10000x32xf32, #tpu.memory_space<hbm>>, %arg5: memref<2x10000x32xf32, #tpu.memory_space<hbm>>, %arg6: memref<79x128xi32, #tpu.memory_space<vmem>>, %arg7: memref<128x32xf32, #tpu.memory_space<vmem>>, %arg8: memref<128x32xf32, #tpu.memory_space<vmem>>, %arg9: memref<10000x32xf32, #tpu.memory_space<vmem_shared>>, %arg10: memref<!tpu.dma_semaphore, #tpu.memory_space<semaphore_mem>>, %arg11: memref<!tpu.dma_semaphore, #tpu.memory_space<semaphore_mem>>, %arg12: memref<!tpu.dma_semaphore, #tpu.memory_space<semaphore_mem>>, %arg13: memref<!tpu.dma_semaphore, #tpu.memory_space<semaphore_mem>>) attributes {dimension_semantics = [#tpu.dimension_semantics<core_parallel>, #tpu.dimension_semantics<subcore_parallel>], iteration_bounds = array<i64: 2, 16>, scalar_prefetch = 0 : i64, scratch_operands = 8 : i64, tpu.core_type = #tpu.core_type<sc_vector_subcore>, window_params = [{transform_indices = #map}, {transform_indices = #map}, {transform_indices = #map}, {transform_indices = #map1}]} {
    %mul3A = arith.constant 2 : i32
    %mul3A_0 = arith.muli %arg1, %mul3A : i32
    %add3A = arith.addi %mul3A_0, %arg0 : i32
    %eq3A = arith.constant 0 : i32
    %eq3A_1 = arith.cmpi eq, %arg1, %eq3A : i32
    %convert_element_type3A = arith.extui %eq3A_1 : i1 to i32
    %cond3A = arith.constant 0 : i32
    %cond3A_2 = arith.cmpi ne, %convert_element_type3A, %cond3A : i32
    scf.if %cond3A_2 {
      "tpu.region"() ({
        %run_scoped3A = tpu.sem_alloc : memref<!tpu.dma_semaphore, #tpu.memory_space<semaphore_mem>>
        tpu.enqueue_dma source(%arg4 : memref<10000x32xf32, #tpu.memory_space<hbm>>) target(%arg9 : memref<10000x32xf32, #tpu.memory_space<vmem_shared>>) target_semaphore(%run_scoped3A : memref<!tpu.dma_semaphore, #tpu.memory_space<semaphore_mem>>)
        tpu.wait_dma2 semaphore(%run_scoped3A : memref<!tpu.dma_semaphore, #tpu.memory_space<semaphore_mem>>) src(%arg4 : memref<10000x32xf32, #tpu.memory_space<hbm>>) dst(%arg9 : memref<10000x32xf32, #tpu.memory_space<vmem_shared>>)
        tpu.yield
      }) : () -> ()
    } else {
    }
    %barrier3A = arith.constant 0 : index
    tpu.barrier barrier_id(%barrier3A)
    %mul3A_3 = arith.constant 79 : i32
    %mul3A_4 = arith.muli %add3A, %mul3A_3 : i32
    "tpu.region"() ({
      %run_scoped3A = tpu.sem_alloc : memref<!tpu.dma_semaphore, #tpu.memory_space<semaphore_mem>>
      %dma_start3A = arith.constant 0 : i32
      %dma_start3A_18 = tpu.memref_slice %arg3[%mul3A_4, %dma_start3A] : memref<2528x128xi32, #tpu.memory_space<hbm>> -> memref<79x128xi32, #tpu.memory_space<hbm>>
      %dma_start3A_19 = arith.constant 0 : i32
      %dma_start3A_20 = tpu.memref_slice %arg3[%mul3A_4, %dma_start3A_19] : memref<2528x128xi32, #tpu.memory_space<hbm>> -> memref<79x128xi32, #tpu.memory_space<hbm>>
      tpu.enqueue_dma source(%dma_start3A_20 : memref<79x128xi32, #tpu.memory_space<hbm>>) target(%arg6 : memref<79x128xi32, #tpu.memory_space<vmem>>) target_semaphore(%run_scoped3A : memref<!tpu.dma_semaphore, #tpu.memory_space<semaphore_mem>>)
      %dma_wait3A = arith.constant 0 : i32
      %dma_wait3A_21 = tpu.memref_slice %arg3[%mul3A_4, %dma_wait3A] : memref<2528x128xi32, #tpu.memory_space<hbm>> -> memref<79x128xi32, #tpu.memory_space<hbm>>
      %dma_wait3A_22 = arith.constant 0 : i32
      %dma_wait3A_23 = tpu.memref_slice %arg3[%mul3A_4, %dma_wait3A_22] : memref<2528x128xi32, #tpu.memory_space<hbm>> -> memref<79x128xi32, #tpu.memory_space<hbm>>
      tpu.wait_dma2 semaphore(%run_scoped3A : memref<!tpu.dma_semaphore, #tpu.memory_space<semaphore_mem>>) src(%dma_wait3A_23 : memref<79x128xi32, #tpu.memory_space<hbm>>) dst(%arg6 : memref<79x128xi32, #tpu.memory_space<vmem>>)
      tpu.yield
    }) : () -> ()
    %mul3A_5 = arith.constant 10112 : i32
    %mul3A_6 = arith.muli %add3A, %mul3A_5 : i32
    %scan3A = arith.constant 0 : i32
    %scan3A_7 = arith.constant 0 : i32
    %scan3A_8 = arith.constant 79 : i32
    %scan3A_9 = arith.addi %scan3A_7, %scan3A_8 : i32
    %scan3A_10 = arith.constant 1 : i32
    scf.for %scan3A_18 = %scan3A_7 to %scan3A_9 step %scan3A_10  : i32 {
      %mul3A_19 = arith.constant 128 : i32
      %mul3A_20 = arith.muli %scan3A_18, %mul3A_19 : i32
      %add3A_21 = arith.addi %mul3A_6, %mul3A_20 : i32
      %dma_start3A = arith.constant 0 : i32
      %dma_start3A_22 = tpu.memref_slice %arg2[%add3A_21, %dma_start3A] : memref<323584x32xf32, #tpu.memory_space<hbm>> -> memref<128x32xf32, #tpu.memory_space<hbm>>
      %dma_start3A_23 = arith.constant 0 : i32
      %dma_start3A_24 = tpu.memref_slice %arg2[%add3A_21, %dma_start3A_23] : memref<323584x32xf32, #tpu.memory_space<hbm>> -> memref<128x32xf32, #tpu.memory_space<hbm>>
      tpu.enqueue_dma source(%dma_start3A_24 : memref<128x32xf32, #tpu.memory_space<hbm>>) target(%arg7 : memref<128x32xf32, #tpu.memory_space<vmem>>) target_semaphore(%arg10 : memref<!tpu.dma_semaphore, #tpu.memory_space<semaphore_mem>>)
      %mul3A_25 = arith.constant 128 : i32
      %mul3A_26 = arith.muli %scan3A_18, %mul3A_25 : i32
      %add3A_27 = arith.addi %mul3A_6, %mul3A_26 : i32
      %dma_wait3A = arith.constant 0 : i32
      %dma_wait3A_28 = tpu.memref_slice %arg2[%add3A_27, %dma_wait3A] : memref<323584x32xf32, #tpu.memory_space<hbm>> -> memref<128x32xf32, #tpu.memory_space<hbm>>
      %dma_wait3A_29 = arith.constant 0 : i32
      %dma_wait3A_30 = tpu.memref_slice %arg2[%add3A_27, %dma_wait3A_29] : memref<323584x32xf32, #tpu.memory_space<hbm>> -> memref<128x32xf32, #tpu.memory_space<hbm>>
      tpu.wait_dma2 semaphore(%arg10 : memref<!tpu.dma_semaphore, #tpu.memory_space<semaphore_mem>>) src(%dma_wait3A_30 : memref<128x32xf32, #tpu.memory_space<hbm>>) dst(%arg7 : memref<128x32xf32, #tpu.memory_space<vmem>>)
      %dma_start3A_31 = arith.constant 0 : i32
      %dma_start3A_32 = tpu.memref_slice %arg6[%scan3A_18, %dma_start3A_31] : memref<79x128xi32, #tpu.memory_space<vmem>> -> memref<1x128xi32, #tpu.memory_space<vmem>>
      %dma_start3A_33 = tpu.memref_squeeze %dma_start3A_32 : memref<1x128xi32, #tpu.memory_space<vmem>> -> memref<128xi32, #tpu.memory_space<vmem>>
      %dma_start3A_34 = arith.constant 0 : i32
      %dma_start3A_35 = arith.constant 0 : i32
      %dma_start3A_36 = tpu.memref_slice %arg9[%dma_start3A_34, %dma_start3A_35] : memref<10000x32xf32, #tpu.memory_space<vmem_shared>> -> memref<10000x32xf32, #tpu.memory_space<vmem_shared>>
      tpu.enqueue_indirect_dma source(%arg7 : memref<128x32xf32, #tpu.memory_space<vmem>>) target(%dma_start3A_36 : memref<10000x32xf32, #tpu.memory_space<vmem_shared>>) offsets(%dma_start3A_33 : memref<128xi32, #tpu.memory_space<vmem>>) semaphore(%arg12 : memref<!tpu.dma_semaphore, #tpu.memory_space<semaphore_mem>>) {add = true}
      %dma_wait3A_37 = arith.constant 0 : i32
      %dma_wait3A_38 = tpu.memref_slice %arg6[%scan3A_18, %dma_wait3A_37] : memref<79x128xi32, #tpu.memory_space<vmem>> -> memref<1x128xi32, #tpu.memory_space<vmem>>
      %dma_wait3A_39 = tpu.memref_squeeze %dma_wait3A_38 : memref<1x128xi32, #tpu.memory_space<vmem>> -> memref<128xi32, #tpu.memory_space<vmem>>
      %dma_wait3A_40 = arith.constant 0 : i32
      %dma_wait3A_41 = arith.constant 0 : i32
      %dma_wait3A_42 = tpu.memref_slice %arg9[%dma_wait3A_40, %dma_wait3A_41] : memref<10000x32xf32, #tpu.memory_space<vmem_shared>> -> memref<10000x32xf32, #tpu.memory_space<vmem_shared>>
      tpu.wait_indirect_dma semaphore(%arg12 : memref<!tpu.dma_semaphore, #tpu.memory_space<semaphore_mem>>) src(%arg7 : memref<128x32xf32, #tpu.memory_space<vmem>>) dst(%dma_wait3A_42 : memref<10000x32xf32, #tpu.memory_space<vmem_shared>>)
    }
    %scan3A_11 = arith.constant 79 : i32
    %barrier3A_12 = arith.constant 0 : index
    tpu.barrier barrier_id(%barrier3A_12)
    %eq3A_13 = arith.constant 0 : i32
    %eq3A_14 = arith.cmpi eq, %arg1, %eq3A_13 : i32
    %convert_element_type3A_15 = arith.extui %eq3A_14 : i1 to i32
    %cond3A_16 = arith.constant 0 : i32
    %cond3A_17 = arith.cmpi ne, %convert_element_type3A_15, %cond3A_16 : i32
    scf.if %cond3A_17 {
      "tpu.region"() ({
        %run_scoped3A = tpu.sem_alloc : memref<!tpu.dma_semaphore, #tpu.memory_space<semaphore_mem>>
        %dma_start3A = arith.constant 0 : i32
        %dma_start3A_18 = arith.constant 0 : i32
        %dma_start3A_19 = tpu.memref_slice %arg5[%arg0, %dma_start3A, %dma_start3A_18] : memref<2x10000x32xf32, #tpu.memory_space<hbm>> -> memref<1x10000x32xf32, #tpu.memory_space<hbm>>
        %dma_start3A_20 = tpu.memref_squeeze %dma_start3A_19 : memref<1x10000x32xf32, #tpu.memory_space<hbm>> -> memref<10000x32xf32, #tpu.memory_space<hbm>>
        tpu.enqueue_dma source(%arg9 : memref<10000x32xf32, #tpu.memory_space<vmem_shared>>) target(%dma_start3A_20 : memref<10000x32xf32, #tpu.memory_space<hbm>>) target_semaphore(%run_scoped3A : memref<!tpu.dma_semaphore, #tpu.memory_space<semaphore_mem>>)
        %dma_wait3A = arith.constant 0 : i32
        %dma_wait3A_21 = arith.constant 0 : i32
        %dma_wait3A_22 = tpu.memref_slice %arg5[%arg0, %dma_wait3A, %dma_wait3A_21] : memref<2x10000x32xf32, #tpu.memory_space<hbm>> -> memref<1x10000x32xf32, #tpu.memory_space<hbm>>
        %dma_wait3A_23 = tpu.memref_squeeze %dma_wait3A_22 : memref<1x10000x32xf32, #tpu.memory_space<hbm>> -> memref<10000x32xf32, #tpu.memory_space<hbm>>
        tpu.wait_dma2 semaphore(%run_scoped3A : memref<!tpu.dma_semaphore, #tpu.memory_space<semaphore_mem>>) src(%arg9 : memref<10000x32xf32, #tpu.memory_space<vmem_shared>>) dst(%dma_wait3A_23 : memref<10000x32xf32, #tpu.memory_space<hbm>>)
        tpu.yield
      }) : () -> ()
    } else {
    }
    return
  }
}

#map = affine_map<(d0, d1) -> (0, 0)>
module attributes {stable_mosaic.version = 14 : i64} {
  func.func @gather_kernel(%arg0: i32, %arg1: i32, %arg2: memref<10000x64xf32, #tpu.memory_space<hbm>>, %arg3: memref<10000x64xf32, #tpu.memory_space<hbm>>, %arg4: memref<2528x128xi32, #tpu.memory_space<hbm>>, %arg5: memref<2528x128xi32, #tpu.memory_space<hbm>>, %arg6: memref<323584x64xf32, #tpu.memory_space<hbm>>, %arg7: memref<323584x64xf32, #tpu.memory_space<hbm>>, %arg8: memref<128x64xf32, #tpu.memory_space<vmem>>, %arg9: memref<128x64xf32, #tpu.memory_space<vmem>>, %arg10: memref<128x64xf32, #tpu.memory_space<vmem>>, %arg11: memref<128x64xf32, #tpu.memory_space<vmem>>, %arg12: memref<128xi32, #tpu.memory_space<vmem>>, %arg13: memref<128xi32, #tpu.memory_space<vmem>>, %arg14: memref<128xi32, #tpu.memory_space<vmem>>, %arg15: memref<128xi32, #tpu.memory_space<vmem>>, %arg16: memref<!tpu.dma_semaphore, #tpu.memory_space<semaphore_mem>>, %arg17: memref<!tpu.dma_semaphore, #tpu.memory_space<semaphore_mem>>, %arg18: memref<!tpu.dma_semaphore, #tpu.memory_space<semaphore_mem>>, %arg19: memref<!tpu.dma_semaphore, #tpu.memory_space<semaphore_mem>>) attributes {dimension_semantics = [#tpu.dimension_semantics<core_parallel>, #tpu.dimension_semantics<subcore_parallel>], iteration_bounds = array<i64: 2, 16>, scalar_prefetch = 0 : i64, scratch_operands = 12 : i64, tpu.core_type = #tpu.core_type<sc_vector_subcore>, window_params = [{transform_indices = #map}, {transform_indices = #map}, {transform_indices = #map}, {transform_indices = #map}, {transform_indices = #map}, {transform_indices = #map}]} {
    %mul3A = arith.constant 2 : i32
    %mul3A_0 = arith.muli %arg1, %mul3A : i32
    %add3A = arith.addi %mul3A_0, %arg0 : i32
    %mul3A_1 = arith.constant 79 : i32
    %mul3A_2 = arith.muli %add3A, %mul3A_1 : i32
    %mul3A_3 = arith.constant 10112 : i32
    %mul3A_4 = arith.muli %add3A, %mul3A_3 : i32
    %scan3A = arith.constant 0 : i32
    %scan3A_5 = arith.constant 0 : i32
    %scan3A_6 = arith.constant 79 : i32
    %scan3A_7 = arith.addi %scan3A_5, %scan3A_6 : i32
    %scan3A_8 = arith.constant 1 : i32
    scf.for %scan3A_10 = %scan3A_5 to %scan3A_7 step %scan3A_8  : i32 {
      %add3A_11 = arith.addi %mul3A_2, %scan3A_10 : i32
      "tpu.region"() ({
        %run_scoped3A = tpu.sem_alloc : memref<!tpu.dma_semaphore, #tpu.memory_space<semaphore_mem>>
        %dma_start3A_26 = arith.constant 0 : i32
        %dma_start3A_27 = tpu.memref_slice %arg4[%add3A_11, %dma_start3A_26] : memref<2528x128xi32, #tpu.memory_space<hbm>> -> memref<1x128xi32, #tpu.memory_space<hbm>>
        %dma_start3A_28 = tpu.memref_squeeze %dma_start3A_27 : memref<1x128xi32, #tpu.memory_space<hbm>> -> memref<128xi32, #tpu.memory_space<hbm>>
        %dma_start3A_29 = arith.constant 0 : i32
        %dma_start3A_30 = tpu.memref_slice %arg4[%add3A_11, %dma_start3A_29] : memref<2528x128xi32, #tpu.memory_space<hbm>> -> memref<1x128xi32, #tpu.memory_space<hbm>>
        %dma_start3A_31 = tpu.memref_squeeze %dma_start3A_30 : memref<1x128xi32, #tpu.memory_space<hbm>> -> memref<128xi32, #tpu.memory_space<hbm>>
        tpu.enqueue_dma source(%dma_start3A_31 : memref<128xi32, #tpu.memory_space<hbm>>) target(%arg12 : memref<128xi32, #tpu.memory_space<vmem>>) target_semaphore(%run_scoped3A : memref<!tpu.dma_semaphore, #tpu.memory_space<semaphore_mem>>)
        %dma_wait3A_32 = arith.constant 0 : i32
        %dma_wait3A_33 = tpu.memref_slice %arg4[%add3A_11, %dma_wait3A_32] : memref<2528x128xi32, #tpu.memory_space<hbm>> -> memref<1x128xi32, #tpu.memory_space<hbm>>
        %dma_wait3A_34 = tpu.memref_squeeze %dma_wait3A_33 : memref<1x128xi32, #tpu.memory_space<hbm>> -> memref<128xi32, #tpu.memory_space<hbm>>
        %dma_wait3A_35 = arith.constant 0 : i32
        %dma_wait3A_36 = tpu.memref_slice %arg4[%add3A_11, %dma_wait3A_35] : memref<2528x128xi32, #tpu.memory_space<hbm>> -> memref<1x128xi32, #tpu.memory_space<hbm>>
        %dma_wait3A_37 = tpu.memref_squeeze %dma_wait3A_36 : memref<1x128xi32, #tpu.memory_space<hbm>> -> memref<128xi32, #tpu.memory_space<hbm>>
        tpu.wait_dma2 semaphore(%run_scoped3A : memref<!tpu.dma_semaphore, #tpu.memory_space<semaphore_mem>>) src(%dma_wait3A_37 : memref<128xi32, #tpu.memory_space<hbm>>) dst(%arg12 : memref<128xi32, #tpu.memory_space<vmem>>)
        tpu.yield
      }) : () -> ()
      %add3A_12 = arith.addi %mul3A_2, %scan3A_10 : i32
      "tpu.region"() ({
        %run_scoped3A = tpu.sem_alloc : memref<!tpu.dma_semaphore, #tpu.memory_space<semaphore_mem>>
        %dma_start3A_26 = arith.constant 0 : i32
        %dma_start3A_27 = tpu.memref_slice %arg5[%add3A_12, %dma_start3A_26] : memref<2528x128xi32, #tpu.memory_space<hbm>> -> memref<1x128xi32, #tpu.memory_space<hbm>>
        %dma_start3A_28 = tpu.memref_squeeze %dma_start3A_27 : memref<1x128xi32, #tpu.memory_space<hbm>> -> memref<128xi32, #tpu.memory_space<hbm>>
        %dma_start3A_29 = arith.constant 0 : i32
        %dma_start3A_30 = tpu.memref_slice %arg5[%add3A_12, %dma_start3A_29] : memref<2528x128xi32, #tpu.memory_space<hbm>> -> memref<1x128xi32, #tpu.memory_space<hbm>>
        %dma_start3A_31 = tpu.memref_squeeze %dma_start3A_30 : memref<1x128xi32, #tpu.memory_space<hbm>> -> memref<128xi32, #tpu.memory_space<hbm>>
        tpu.enqueue_dma source(%dma_start3A_31 : memref<128xi32, #tpu.memory_space<hbm>>) target(%arg13 : memref<128xi32, #tpu.memory_space<vmem>>) target_semaphore(%run_scoped3A : memref<!tpu.dma_semaphore, #tpu.memory_space<semaphore_mem>>)
        %dma_wait3A_32 = arith.constant 0 : i32
        %dma_wait3A_33 = tpu.memref_slice %arg5[%add3A_12, %dma_wait3A_32] : memref<2528x128xi32, #tpu.memory_space<hbm>> -> memref<1x128xi32, #tpu.memory_space<hbm>>
        %dma_wait3A_34 = tpu.memref_squeeze %dma_wait3A_33 : memref<1x128xi32, #tpu.memory_space<hbm>> -> memref<128xi32, #tpu.memory_space<hbm>>
        %dma_wait3A_35 = arith.constant 0 : i32
        %dma_wait3A_36 = tpu.memref_slice %arg5[%add3A_12, %dma_wait3A_35] : memref<2528x128xi32, #tpu.memory_space<hbm>> -> memref<1x128xi32, #tpu.memory_space<hbm>>
        %dma_wait3A_37 = tpu.memref_squeeze %dma_wait3A_36 : memref<1x128xi32, #tpu.memory_space<hbm>> -> memref<128xi32, #tpu.memory_space<hbm>>
        tpu.wait_dma2 semaphore(%run_scoped3A : memref<!tpu.dma_semaphore, #tpu.memory_space<semaphore_mem>>) src(%dma_wait3A_37 : memref<128xi32, #tpu.memory_space<hbm>>) dst(%arg13 : memref<128xi32, #tpu.memory_space<vmem>>)
        tpu.yield
      }) : () -> ()
      %dma_start3A = arith.constant 0 : i32
      %dma_start3A_13 = arith.constant 0 : i32
      %dma_start3A_14 = tpu.memref_slice %arg2[%dma_start3A, %dma_start3A_13] : memref<10000x64xf32, #tpu.memory_space<hbm>> -> memref<10000x64xf32, #tpu.memory_space<hbm>>
      tpu.enqueue_indirect_dma source(%dma_start3A_14 : memref<10000x64xf32, #tpu.memory_space<hbm>>) target(%arg8 : memref<128x64xf32, #tpu.memory_space<vmem>>) offsets(%arg12 : memref<128xi32, #tpu.memory_space<vmem>>) semaphore(%arg16 : memref<!tpu.dma_semaphore, #tpu.memory_space<semaphore_mem>>)
      %dma_start3A_15 = arith.constant 0 : i32
      %dma_start3A_16 = arith.constant 0 : i32
      %dma_start3A_17 = tpu.memref_slice %arg3[%dma_start3A_15, %dma_start3A_16] : memref<10000x64xf32, #tpu.memory_space<hbm>> -> memref<10000x64xf32, #tpu.memory_space<hbm>>
      tpu.enqueue_indirect_dma source(%dma_start3A_17 : memref<10000x64xf32, #tpu.memory_space<hbm>>) target(%arg9 : memref<128x64xf32, #tpu.memory_space<vmem>>) offsets(%arg13 : memref<128xi32, #tpu.memory_space<vmem>>) semaphore(%arg16 : memref<!tpu.dma_semaphore, #tpu.memory_space<semaphore_mem>>)
      %dma_wait3A = arith.constant 0 : i32
      %dma_wait3A_18 = arith.constant 0 : i32
      %dma_wait3A_19 = tpu.memref_slice %arg2[%dma_wait3A, %dma_wait3A_18] : memref<10000x64xf32, #tpu.memory_space<hbm>> -> memref<10000x64xf32, #tpu.memory_space<hbm>>
      tpu.wait_indirect_dma semaphore(%arg16 : memref<!tpu.dma_semaphore, #tpu.memory_space<semaphore_mem>>) src(%dma_wait3A_19 : memref<10000x64xf32, #tpu.memory_space<hbm>>) dst(%arg8 : memref<128x64xf32, #tpu.memory_space<vmem>>)
      %dma_wait3A_20 = arith.constant 0 : i32
      %dma_wait3A_21 = arith.constant 0 : i32
      %dma_wait3A_22 = tpu.memref_slice %arg3[%dma_wait3A_20, %dma_wait3A_21] : memref<10000x64xf32, #tpu.memory_space<hbm>> -> memref<10000x64xf32, #tpu.memory_space<hbm>>
      tpu.wait_indirect_dma semaphore(%arg16 : memref<!tpu.dma_semaphore, #tpu.memory_space<semaphore_mem>>) src(%dma_wait3A_22 : memref<10000x64xf32, #tpu.memory_space<hbm>>) dst(%arg9 : memref<128x64xf32, #tpu.memory_space<vmem>>)
      %mul3A_23 = arith.constant 128 : i32
      %mul3A_24 = arith.muli %scan3A_10, %mul3A_23 : i32
      %add3A_25 = arith.addi %mul3A_4, %mul3A_24 : i32
      "tpu.region"() ({
        %run_scoped3A = tpu.sem_alloc : memref<!tpu.dma_semaphore, #tpu.memory_space<semaphore_mem>>
        %dma_start3A_26 = arith.constant 0 : i32
        %dma_start3A_27 = tpu.memref_slice %arg6[%add3A_25, %dma_start3A_26] : memref<323584x64xf32, #tpu.memory_space<hbm>> -> memref<128x64xf32, #tpu.memory_space<hbm>>
        %dma_start3A_28 = arith.constant 0 : i32
        %dma_start3A_29 = tpu.memref_slice %arg6[%add3A_25, %dma_start3A_28] : memref<323584x64xf32, #tpu.memory_space<hbm>> -> memref<128x64xf32, #tpu.memory_space<hbm>>
        tpu.enqueue_dma source(%arg8 : memref<128x64xf32, #tpu.memory_space<vmem>>) target(%dma_start3A_29 : memref<128x64xf32, #tpu.memory_space<hbm>>) target_semaphore(%run_scoped3A : memref<!tpu.dma_semaphore, #tpu.memory_space<semaphore_mem>>)
        %dma_wait3A_30 = arith.constant 0 : i32
        %dma_wait3A_31 = tpu.memref_slice %arg6[%add3A_25, %dma_wait3A_30] : memref<323584x64xf32, #tpu.memory_space<hbm>> -> memref<128x64xf32, #tpu.memory_space<hbm>>
        %dma_wait3A_32 = arith.constant 0 : i32
        %dma_wait3A_33 = tpu.memref_slice %arg6[%add3A_25, %dma_wait3A_32] : memref<323584x64xf32, #tpu.memory_space<hbm>> -> memref<128x64xf32, #tpu.memory_space<hbm>>
        tpu.wait_dma2 semaphore(%run_scoped3A : memref<!tpu.dma_semaphore, #tpu.memory_space<semaphore_mem>>) src(%arg8 : memref<128x64xf32, #tpu.memory_space<vmem>>) dst(%dma_wait3A_33 : memref<128x64xf32, #tpu.memory_space<hbm>>)
        tpu.yield
      }) : () -> ()
      "tpu.region"() ({
        %run_scoped3A = tpu.sem_alloc : memref<!tpu.dma_semaphore, #tpu.memory_space<semaphore_mem>>
        %dma_start3A_26 = arith.constant 0 : i32
        %dma_start3A_27 = tpu.memref_slice %arg7[%add3A_25, %dma_start3A_26] : memref<323584x64xf32, #tpu.memory_space<hbm>> -> memref<128x64xf32, #tpu.memory_space<hbm>>
        %dma_start3A_28 = arith.constant 0 : i32
        %dma_start3A_29 = tpu.memref_slice %arg7[%add3A_25, %dma_start3A_28] : memref<323584x64xf32, #tpu.memory_space<hbm>> -> memref<128x64xf32, #tpu.memory_space<hbm>>
        tpu.enqueue_dma source(%arg9 : memref<128x64xf32, #tpu.memory_space<vmem>>) target(%dma_start3A_29 : memref<128x64xf32, #tpu.memory_space<hbm>>) target_semaphore(%run_scoped3A : memref<!tpu.dma_semaphore, #tpu.memory_space<semaphore_mem>>)
        %dma_wait3A_30 = arith.constant 0 : i32
        %dma_wait3A_31 = tpu.memref_slice %arg7[%add3A_25, %dma_wait3A_30] : memref<323584x64xf32, #tpu.memory_space<hbm>> -> memref<128x64xf32, #tpu.memory_space<hbm>>
        %dma_wait3A_32 = arith.constant 0 : i32
        %dma_wait3A_33 = tpu.memref_slice %arg7[%add3A_25, %dma_wait3A_32] : memref<323584x64xf32, #tpu.memory_space<hbm>> -> memref<128x64xf32, #tpu.memory_space<hbm>>
        tpu.wait_dma2 semaphore(%run_scoped3A : memref<!tpu.dma_semaphore, #tpu.memory_space<semaphore_mem>>) src(%arg9 : memref<128x64xf32, #tpu.memory_space<vmem>>) dst(%dma_wait3A_33 : memref<128x64xf32, #tpu.memory_space<hbm>>)
        tpu.yield
      }) : () -> ()
    }
    %scan3A_9 = arith.constant 79 : i32
    return
  }
}

module attributes {stable_mosaic.version = 14 : i64} {
  func.func @_tables_body(%arg0: i32, %arg1: memref<2000x128xf32, #tpu.memory_space<vmem>>, %arg2: memref<2000x2xf32, #tpu.memory_space<vmem>>, %arg3: memref<2000x2xf32, #tpu.memory_space<vmem>>, %arg4: memref<128x48xf32, #tpu.memory_space<vmem>>, %arg5: memref<128x48xf32, #tpu.memory_space<vmem>>, %arg6: memref<2000x64xf32, #tpu.memory_space<vmem>>, %arg7: memref<2000x64xf32, #tpu.memory_space<vmem>>) attributes {dimension_semantics = [#tpu.dimension_semantics<arbitrary>], iteration_bounds = array<i64: 5>, scalar_prefetch = 0 : i64, scratch_operands = 0 : i64, tpu.core_type = #tpu.core_type<tc>, window_params = [{transform_indices = @transform_0, window_bounds = array<i64: 2000, 128>}, {transform_indices = @transform_1, window_bounds = array<i64: 2000, 2>}, {transform_indices = @transform_2, window_bounds = array<i64: 2000, 2>}, {pipeline_mode = #tpu.pipeline_mode<synchronous>, transform_indices = @transform_3, window_bounds = array<i64: 128, 48>}, {pipeline_mode = #tpu.pipeline_mode<synchronous>, transform_indices = @transform_4, window_bounds = array<i64: 128, 48>}, {transform_indices = @transform_5, window_bounds = array<i64: 2000, 64>}, {transform_indices = @transform_6, window_bounds = array<i64: 2000, 64>}]} {
    %get3A = arith.constant 0 : index
    %get3A_0 = arith.constant 0 : index
    %get3A_1 = vector.load %arg1[%get3A, %get3A_0] : memref<2000x128xf32, #tpu.memory_space<vmem>>, vector<2000x128xf32>
    %get3A_2 = arith.constant 0 : index
    %get3A_3 = arith.constant 0 : index
    %get3A_4 = vector.load %arg2[%get3A_2, %get3A_3] : memref<2000x2xf32, #tpu.memory_space<vmem>>, vector<2000x2xf32>
    %get3A_5 = arith.constant 0 : index
    %get3A_6 = arith.constant 0 : index
    %get3A_7 = vector.load %arg3[%get3A_5, %get3A_6] : memref<2000x2xf32, #tpu.memory_space<vmem>>, vector<2000x2xf32>
    %concatenate3A = tpu.concatenate %get3A_4, %get3A_7 in 1 : vector<2000x2xf32>, vector<2000x2xf32> -> vector<2000x4xf32>
    %broadcast_in_dim3A = arith.constant 0.000000e+00 : f32
    %broadcast_in_dim3A_8 = vector.broadcast %broadcast_in_dim3A : f32 to vector<2000x12xf32>
    %get3A_9 = arith.constant 0 : index
    %get3A_10 = arith.constant 0 : index
    %get3A_11 = vector.load %arg4[%get3A_9, %get3A_10] : memref<128x48xf32, #tpu.memory_space<vmem>>, vector<128x48xf32>
    %dot_general3A = arith.constant dense<0.000000e+00> : vector<2000x48xf32>
    %dot_general3A_12 = tpu.matmul %get3A_1, %get3A_11, %dot_general3A {dimension_numbers = #tpu.dot_dimension_numbers<[1], [0], [0], [1], [0, 0, 1, 1], [], []>, transpose_lhs_hint = false} : vector<2000x128xf32>, vector<128x48xf32>, vector<2000x48xf32> -> vector<2000x48xf32>
    %concatenate3A_13 = tpu.concatenate %dot_general3A_12, %concatenate3A, %broadcast_in_dim3A_8 in 1 : vector<2000x48xf32>, vector<2000x4xf32>, vector<2000x12xf32> -> vector<2000x64xf32>
    %swap3A = arith.constant 0 : index
    %swap3A_14 = arith.constant 0 : index
    %swap3A_15 = vector.load %arg6[%swap3A, %swap3A_14] : memref<2000x64xf32, #tpu.memory_space<vmem>>, vector<2000x64xf32>
    tpu.vector_store %arg6[%swap3A, %swap3A_14], %concatenate3A_13 {strides = array<i32>} : memref<2000x64xf32, #tpu.memory_space<vmem>>, vector<2000x64xf32>,
    %get3A_16 = arith.constant 0 : index
    %get3A_17 = arith.constant 0 : index
    %get3A_18 = vector.load %arg5[%get3A_16, %get3A_17] : memref<128x48xf32, #tpu.memory_space<vmem>>, vector<128x48xf32>
    %dot_general3A_19 = arith.constant dense<0.000000e+00> : vector<2000x48xf32>
    %dot_general3A_20 = tpu.matmul %get3A_1, %get3A_18, %dot_general3A_19 {dimension_numbers = #tpu.dot_dimension_numbers<[1], [0], [0], [1], [0, 0, 1, 1], [], []>, transpose_lhs_hint = false} : vector<2000x128xf32>, vector<128x48xf32>, vector<2000x48xf32> -> vector<2000x48xf32>
    %concatenate3A_21 = tpu.concatenate %dot_general3A_20, %concatenate3A, %broadcast_in_dim3A_8 in 1 : vector<2000x48xf32>, vector<2000x4xf32>, vector<2000x12xf32> -> vector<2000x64xf32>
    %swap3A_22 = arith.constant 0 : index
    %swap3A_23 = arith.constant 0 : index
    %swap3A_24 = vector.load %arg7[%swap3A_22, %swap3A_23] : memref<2000x64xf32, #tpu.memory_space<vmem>>, vector<2000x64xf32>
    tpu.vector_store %arg7[%swap3A_22, %swap3A_23], %concatenate3A_21 {strides = array<i32>} : memref<2000x64xf32, #tpu.memory_space<vmem>>, vector<2000x64xf32>,
    return
  }
  func.func @transform_0(%arg0: i32) -> (i32, i32) {
    %c0_i32 = arith.constant 0 : i32
    %c0_i32_0 = arith.constant 0 : i32
    return %arg0, %c0_i32 : i32, i32
  }
  func.func @transform_1(%arg0: i32) -> (i32, i32) {
    %c0_i32 = arith.constant 0 : i32
    %c0_i32_0 = arith.constant 0 : i32
    return %arg0, %c0_i32 : i32, i32
  }
  func.func @transform_2(%arg0: i32) -> (i32, i32) {
    %c0_i32 = arith.constant 0 : i32
    %c0_i32_0 = arith.constant 0 : i32
    return %arg0, %c0_i32 : i32, i32
  }
  func.func @transform_3(%arg0: i32) -> (i32, i32) {
    %c0_i32 = arith.constant 0 : i32
    %c0_i32_0 = arith.constant 0 : i32
    %c0_i32_1 = arith.constant 0 : i32
    return %c0_i32, %c0_i32_0 : i32, i32
  }
  func.func @transform_4(%arg0: i32) -> (i32, i32) {
    %c0_i32 = arith.constant 0 : i32
    %c0_i32_0 = arith.constant 0 : i32
    %c0_i32_1 = arith.constant 0 : i32
    return %c0_i32, %c0_i32_0 : i32, i32
  }
  func.func @transform_5(%arg0: i32) -> (i32, i32) {
    %c0_i32 = arith.constant 0 : i32
    %c0_i32_0 = arith.constant 0 : i32
    return %arg0, %c0_i32 : i32, i32
  }
  func.func @transform_6(%arg0: i32) -> (i32, i32) {
    %c0_i32 = arith.constant 0 : i32
    %c0_i32_0 = arith.constant 0 : i32
    return %arg0, %c0_i32 : i32, i32
  }
}

module attributes {stable_mosaic.version = 14 : i64} {
  func.func @_edge_body(%arg0: i32, %arg1: memref<512x256xf32, #tpu.memory_space<vmem>>, %arg2: memref<512x256xf32, #tpu.memory_space<vmem>>, %arg3: memref<32x1xf32, #tpu.memory_space<vmem>>, %arg4: memref<32x1xf32, #tpu.memory_space<vmem>>, %arg5: memref<32x1xf32, #tpu.memory_space<vmem>>, %arg6: memref<16x32xf32, #tpu.memory_space<vmem>>, %arg7: memref<16x1xf32, #tpu.memory_space<vmem>>, %arg8: memref<16x1xf32, #tpu.memory_space<vmem>>, %arg9: memref<16x1xf32, #tpu.memory_space<vmem>>, %arg10: memref<16x1xf32, #tpu.memory_space<vmem>>, %arg11: memref<1x16xf32, #tpu.memory_space<vmem>>, %arg12: memref<1x1xf32, #tpu.memory_space<vmem>>, %arg13: memref<512x128xf32, #tpu.memory_space<vmem>>) attributes {dimension_semantics = [#tpu.dimension_semantics<arbitrary>], iteration_bounds = array<i64: 158>, scalar_prefetch = 0 : i64, scratch_operands = 0 : i64, tpu.core_type = #tpu.core_type<tc>, window_params = [{transform_indices = @transform_0, window_bounds = array<i64: 512, 256>}, {transform_indices = @transform_1, window_bounds = array<i64: 512, 256>}, {pipeline_mode = #tpu.pipeline_mode<synchronous>, transform_indices = @transform_2, window_bounds = array<i64: 32, 1>}, {pipeline_mode = #tpu.pipeline_mode<synchronous>, transform_indices = @transform_3, window_bounds = array<i64: 32, 1>}, {pipeline_mode = #tpu.pipeline_mode<synchronous>, transform_indices = @transform_4, window_bounds = array<i64: 32, 1>}, {pipeline_mode = #tpu.pipeline_mode<synchronous>, transform_indices = @transform_5, window_bounds = array<i64: 16, 32>}, {pipeline_mode = #tpu.pipeline_mode<synchronous>, transform_indices = @transform_6, window_bounds = array<i64: 16, 1>}, {pipeline_mode = #tpu.pipeline_mode<synchronous>, transform_indices = @transform_7, window_bounds = array<i64: 16, 1>}, {pipeline_mode = #tpu.pipeline_mode<synchronous>, transform_indices = @transform_8, window_bounds = array<i64: 16, 1>}, {pipeline_mode = #tpu.pipeline_mode<synchronous>, transform_indices = @transform_9, window_bounds = array<i64: 16, 1>}, {pipeline_mode = #tpu.pipeline_mode<synchronous>, transform_indices = @transform_10, window_bounds = array<i64: 1, 16>}, {pipeline_mode = #tpu.pipeline_mode<synchronous>, transform_indices = @transform_11, window_bounds = array<i64: 1, 1>}, {transform_indices = @transform_12, window_bounds = array<i64: 512, 128>}]} {
    %get3A = arith.constant 0 : index
    %get3A_0 = arith.constant 0 : index
    %get3A_1 = vector.load %arg1[%get3A, %get3A_0] : memref<512x256xf32, #tpu.memory_space<vmem>>, vector<512x256xf32>
    %transpose3A = tpu.transpose %get3A_1, [1, 0] : vector<512x256xf32> -> vector<256x512xf32>
    %get3A_2 = arith.constant 0 : index
    %get3A_3 = arith.constant 0 : index
    %get3A_4 = vector.load %arg2[%get3A_2, %get3A_3] : memref<512x256xf32, #tpu.memory_space<vmem>>, vector<512x256xf32>
    %transpose3A_5 = tpu.transpose %get3A_4, [1, 0] : vector<512x256xf32> -> vector<256x512xf32>
    %iota3A = tpu.iota {dimensions = array<i32: 1>} : vector<1x512xi32>
    %mul3A = arith.constant 512 : i32
    %mul3A_6 = arith.muli %arg0, %mul3A : i32
    %add3A = vector.broadcast %mul3A_6 : i32 to vector<1x512xi32>
    %add3A_7 = arith.addi %iota3A, %add3A : vector<1x512xi32>
    %slice3A = vector.extract_strided_slice %transpose3A {offsets = [0, 0], sizes = [52, 512], strides = [1, 1]} : vector<256x512xf32> to vector<52x512xf32>
    %slice3A_8 = vector.extract_strided_slice %transpose3A_5 {offsets = [0, 0], sizes = [52, 512], strides = [1, 1]} : vector<256x512xf32> to vector<52x512xf32>
    %slice3A_9 = vector.extract_strided_slice %slice3A {offsets = [48, 0], sizes = [2, 512], strides = [1, 1]} : vector<52x512xf32> to vector<2x512xf32>
    %slice3A_10 = vector.extract_strided_slice %slice3A_8 {offsets = [48, 0], sizes = [2, 512], strides = [1, 1]} : vector<52x512xf32> to vector<2x512xf32>
    %sub3A = arith.subf %slice3A_9, %slice3A_10 : vector<2x512xf32>
    %slice3A_11 = vector.extract_strided_slice %slice3A {offsets = [50, 0], sizes = [2, 512], strides = [1, 1]} : vector<52x512xf32> to vector<2x512xf32>
    %slice3A_12 = vector.extract_strided_slice %slice3A_8 {offsets = [50, 0], sizes = [2, 512], strides = [1, 1]} : vector<52x512xf32> to vector<2x512xf32>
    %sub3A_13 = arith.subf %slice3A_11, %slice3A_12 : vector<2x512xf32>
    %mul3A_14 = arith.mulf %sub3A, %sub3A : vector<2x512xf32>
    %reduce_sum3A = arith.constant dense<0.000000e+00> : vector<512xf32>
    %reduce_sum3A_15 = vector.multi_reduction <add>, %mul3A_14, %reduce_sum3A [0] : vector<2x512xf32> to vector<512xf32>
    %broadcast_in_dim3A = vector.shape_cast %reduce_sum3A_15 : vector<512xf32> to vector<1x512xf32>
    %mul3A_16 = arith.mulf %sub3A_13, %sub3A : vector<2x512xf32>
    %reduce_sum3A_17 = arith.constant dense<0.000000e+00> : vector<512xf32>
    %reduce_sum3A_18 = vector.multi_reduction <add>, %mul3A_16, %reduce_sum3A_17 [0] : vector<2x512xf32> to vector<512xf32>
    %broadcast_in_dim3A_19 = vector.shape_cast %reduce_sum3A_18 : vector<512xf32> to vector<1x512xf32>
    %slice3A_20 = vector.extract_strided_slice %slice3A {offsets = [0, 0], sizes = [32, 512], strides = [1, 1]} : vector<52x512xf32> to vector<32x512xf32>
    %slice3A_21 = vector.extract_strided_slice %slice3A_8 {offsets = [0, 0], sizes = [32, 512], strides = [1, 1]} : vector<52x512xf32> to vector<32x512xf32>
    %add3A_22 = arith.addf %slice3A_20, %slice3A_21 : vector<32x512xf32>
    %get3A_23 = arith.constant 0 : index
    %get3A_24 = arith.constant 0 : index
    %get3A_25 = vector.load %arg3[%get3A_23, %get3A_24] : memref<32x1xf32, #tpu.memory_space<vmem>>, vector<32x1xf32>
    %mul3A_26 = vector.broadcast %get3A_25 : vector<32x1xf32> to vector<32x512xf32>
    %mul3A_27 = vector.broadcast %broadcast_in_dim3A : vector<1x512xf32> to vector<32x512xf32>
    %mul3A_28 = arith.mulf %mul3A_26, %mul3A_27 : vector<32x512xf32>
    %add3A_29 = arith.addf %add3A_22, %mul3A_28 : vector<32x512xf32>
    %get3A_30 = arith.constant 0 : index
    %get3A_31 = arith.constant 0 : index
    %get3A_32 = vector.load %arg4[%get3A_30, %get3A_31] : memref<32x1xf32, #tpu.memory_space<vmem>>, vector<32x1xf32>
    %mul3A_33 = vector.broadcast %get3A_32 : vector<32x1xf32> to vector<32x512xf32>
    %mul3A_34 = vector.broadcast %broadcast_in_dim3A_19 : vector<1x512xf32> to vector<32x512xf32>
    %mul3A_35 = arith.mulf %mul3A_33, %mul3A_34 : vector<32x512xf32>
    %add3A_36 = arith.addf %add3A_29, %mul3A_35 : vector<32x512xf32>
    %get3A_37 = arith.constant 0 : index
    %get3A_38 = arith.constant 0 : index
    %get3A_39 = vector.load %arg5[%get3A_37, %get3A_38] : memref<32x1xf32, #tpu.memory_space<vmem>>, vector<32x1xf32>
    %add3A_40 = vector.broadcast %get3A_39 : vector<32x1xf32> to vector<32x512xf32>
    %add3A_41 = arith.addf %add3A_36, %add3A_40 : vector<32x512xf32>
    %logistic3A = arith.negf %add3A_41 : vector<32x512xf32>
    %logistic3A_42 = math.exp %logistic3A : vector<32x512xf32>
    %logistic3A_43 = arith.constant 1.000000e+00 : f32
    %logistic3A_44 = vector.broadcast %logistic3A_43 : f32 to vector<32x512xf32>
    %logistic3A_45 = arith.addf %logistic3A_44, %logistic3A_42 : vector<32x512xf32>
    %logistic3A_46 = arith.divf %logistic3A_44, %logistic3A_45 : vector<32x512xf32>
    %mul3A_47 = arith.mulf %add3A_41, %logistic3A_46 : vector<32x512xf32>
    %get3A_48 = arith.constant 0 : index
    %get3A_49 = arith.constant 0 : index
    %get3A_50 = vector.load %arg6[%get3A_48, %get3A_49] : memref<16x32xf32, #tpu.memory_space<vmem>>, vector<16x32xf32>
    %dot_general3A = arith.constant dense<0.000000e+00> : vector<16x512xf32>
    %dot_general3A_51 = tpu.matmul %get3A_50, %mul3A_47, %dot_general3A {dimension_numbers = #tpu.dot_dimension_numbers<[1], [0], [0], [1], [0, 0, 1, 1], [], []>, transpose_lhs_hint = false} : vector<16x32xf32>, vector<32x512xf32>, vector<16x512xf32> -> vector<16x512xf32>
    %get3A_52 = arith.constant 0 : index
    %get3A_53 = arith.constant 0 : index
    %get3A_54 = vector.load %arg7[%get3A_52, %get3A_53] : memref<16x1xf32, #tpu.memory_space<vmem>>, vector<16x1xf32>
    %add3A_55 = vector.broadcast %get3A_54 : vector<16x1xf32> to vector<16x512xf32>
    %add3A_56 = arith.addf %dot_general3A_51, %add3A_55 : vector<16x512xf32>
    %slice3A_57 = vector.extract_strided_slice %slice3A {offsets = [32, 0], sizes = [16, 512], strides = [1, 1]} : vector<52x512xf32> to vector<16x512xf32>
    %slice3A_58 = vector.extract_strided_slice %slice3A_8 {offsets = [32, 0], sizes = [16, 512], strides = [1, 1]} : vector<52x512xf32> to vector<16x512xf32>
    %add3A_59 = arith.addf %slice3A_57, %slice3A_58 : vector<16x512xf32>
    %get3A_60 = arith.constant 0 : index
    %get3A_61 = arith.constant 0 : index
    %get3A_62 = vector.load %arg8[%get3A_60, %get3A_61] : memref<16x1xf32, #tpu.memory_space<vmem>>, vector<16x1xf32>
    %mul3A_63 = vector.broadcast %get3A_62 : vector<16x1xf32> to vector<16x512xf32>
    %mul3A_64 = vector.broadcast %broadcast_in_dim3A : vector<1x512xf32> to vector<16x512xf32>
    %mul3A_65 = arith.mulf %mul3A_63, %mul3A_64 : vector<16x512xf32>
    %add3A_66 = arith.addf %add3A_59, %mul3A_65 : vector<16x512xf32>
    %get3A_67 = arith.constant 0 : index
    %get3A_68 = arith.constant 0 : index
    %get3A_69 = vector.load %arg9[%get3A_67, %get3A_68] : memref<16x1xf32, #tpu.memory_space<vmem>>, vector<16x1xf32>
    %mul3A_70 = vector.broadcast %get3A_69 : vector<16x1xf32> to vector<16x512xf32>
    %mul3A_71 = vector.broadcast %broadcast_in_dim3A_19 : vector<1x512xf32> to vector<16x512xf32>
    %mul3A_72 = arith.mulf %mul3A_70, %mul3A_71 : vector<16x512xf32>
    %add3A_73 = arith.addf %add3A_66, %mul3A_72 : vector<16x512xf32>
    %get3A_74 = arith.constant 0 : index
    %get3A_75 = arith.constant 0 : index
    %get3A_76 = vector.load %arg10[%get3A_74, %get3A_75] : memref<16x1xf32, #tpu.memory_space<vmem>>, vector<16x1xf32>
    %add3A_77 = vector.broadcast %get3A_76 : vector<16x1xf32> to vector<16x512xf32>
    %add3A_78 = arith.addf %add3A_73, %add3A_77 : vector<16x512xf32>
    %logistic3A_79 = arith.negf %add3A_78 : vector<16x512xf32>
    %logistic3A_80 = math.exp %logistic3A_79 : vector<16x512xf32>
    %logistic3A_81 = arith.constant 1.000000e+00 : f32
    %logistic3A_82 = vector.broadcast %logistic3A_81 : f32 to vector<16x512xf32>
    %logistic3A_83 = arith.addf %logistic3A_82, %logistic3A_80 : vector<16x512xf32>
    %logistic3A_84 = arith.divf %logistic3A_82, %logistic3A_83 : vector<16x512xf32>
    %mul3A_85 = arith.mulf %add3A_78, %logistic3A_84 : vector<16x512xf32>
    %get3A_86 = arith.constant 0 : index
    %get3A_87 = arith.constant 0 : index
    %get3A_88 = vector.load %arg11[%get3A_86, %get3A_87] : memref<1x16xf32, #tpu.memory_space<vmem>>, vector<1x16xf32>
    %dot_general3A_89 = arith.constant dense<0.000000e+00> : vector<1x512xf32>
    %dot_general3A_90 = tpu.matmul %get3A_88, %mul3A_85, %dot_general3A_89 {dimension_numbers = #tpu.dot_dimension_numbers<[1], [0], [0], [1], [0, 0, 1, 1], [], []>, transpose_lhs_hint = false} : vector<1x16xf32>, vector<16x512xf32>, vector<1x512xf32> -> vector<1x512xf32>
    %get3A_91 = arith.constant 0 : index
    %get3A_92 = arith.constant 0 : index
    %get3A_93 = vector.load %arg12[%get3A_91, %get3A_92] : memref<1x1xf32, #tpu.memory_space<vmem>>, vector<1x1xf32>
    %add3A_94 = vector.broadcast %get3A_93 : vector<1x1xf32> to vector<1x512xf32>
    %add3A_95 = arith.addf %dot_general3A_90, %add3A_94 : vector<1x512xf32>
    %mul3A_96 = vector.broadcast %add3A_95 : vector<1x512xf32> to vector<2x512xf32>
    %mul3A_97 = arith.mulf %mul3A_96, %sub3A : vector<2x512xf32>
    %broadcast_in_dim3A_98 = arith.constant 0.000000e+00 : f32
    %broadcast_in_dim3A_99 = vector.broadcast %broadcast_in_dim3A_98 : f32 to vector<14x512xf32>
    %concatenate3A = tpu.concatenate %add3A_56, %mul3A_97, %broadcast_in_dim3A_99 in 0 : vector<16x512xf32>, vector<2x512xf32>, vector<14x512xf32> -> vector<32x512xf32>
    %mul3A_100 = arith.constant 4 : i32
    %mul3A_101 = vector.broadcast %mul3A_100 : i32 to vector<1x512xi32>
    %mul3A_102 = arith.muli %mul3A_101, %add3A_7 : vector<1x512xi32>
    %add3A_103 = arith.constant 0 : i32
    %add3A_104 = vector.broadcast %add3A_103 : i32 to vector<1x512xi32>
    %add3A_105 = arith.addi %mul3A_102, %add3A_104 : vector<1x512xi32>
    %lt3A = arith.constant 320000 : i32
    %lt3A_106 = vector.broadcast %lt3A : i32 to vector<1x512xi32>
    %lt3A_107 = arith.cmpi slt, %add3A_105, %lt3A_106 : vector<1x512xi32>
    %jit3A = arith.constant 0.000000e+00 : f32
    %broadcast_in_dim3A_108 = vector.shape_cast %lt3A_107 : vector<1x512xi1> to vector<1x512xi1>
    %broadcast_in_dim3A_109 = vector.broadcast %broadcast_in_dim3A_108 : vector<1x512xi1> to vector<32x512xi1>
    %broadcast_in_dim3A_110 = vector.broadcast %jit3A : f32 to vector<32x512xf32>
    %select_n3A = arith.select %broadcast_in_dim3A_109, %concatenate3A, %broadcast_in_dim3A_110 : vector<32x512xi1>, vector<32x512xf32>
    %slice3A_111 = vector.extract_strided_slice %transpose3A {offsets = [64, 0], sizes = [52, 512], strides = [1, 1]} : vector<256x512xf32> to vector<52x512xf32>
    %slice3A_112 = vector.extract_strided_slice %transpose3A_5 {offsets = [64, 0], sizes = [52, 512], strides = [1, 1]} : vector<256x512xf32> to vector<52x512xf32>
    %slice3A_113 = vector.extract_strided_slice %slice3A_111 {offsets = [48, 0], sizes = [2, 512], strides = [1, 1]} : vector<52x512xf32> to vector<2x512xf32>
    %slice3A_114 = vector.extract_strided_slice %slice3A_112 {offsets = [48, 0], sizes = [2, 512], strides = [1, 1]} : vector<52x512xf32> to vector<2x512xf32>
    %sub3A_115 = arith.subf %slice3A_113, %slice3A_114 : vector<2x512xf32>
    %slice3A_116 = vector.extract_strided_slice %slice3A_111 {offsets = [50, 0], sizes = [2, 512], strides = [1, 1]} : vector<52x512xf32> to vector<2x512xf32>
    %slice3A_117 = vector.extract_strided_slice %slice3A_112 {offsets = [50, 0], sizes = [2, 512], strides = [1, 1]} : vector<52x512xf32> to vector<2x512xf32>
    %sub3A_118 = arith.subf %slice3A_116, %slice3A_117 : vector<2x512xf32>
    %mul3A_119 = arith.mulf %sub3A_115, %sub3A_115 : vector<2x512xf32>
    %reduce_sum3A_120 = arith.constant dense<0.000000e+00> : vector<512xf32>
    %reduce_sum3A_121 = vector.multi_reduction <add>, %mul3A_119, %reduce_sum3A_120 [0] : vector<2x512xf32> to vector<512xf32>
    %broadcast_in_dim3A_122 = vector.shape_cast %reduce_sum3A_121 : vector<512xf32> to vector<1x512xf32>
    %mul3A_123 = arith.mulf %sub3A_118, %sub3A_115 : vector<2x512xf32>
    %reduce_sum3A_124 = arith.constant dense<0.000000e+00> : vector<512xf32>
    %reduce_sum3A_125 = vector.multi_reduction <add>, %mul3A_123, %reduce_sum3A_124 [0] : vector<2x512xf32> to vector<512xf32>
    %broadcast_in_dim3A_126 = vector.shape_cast %reduce_sum3A_125 : vector<512xf32> to vector<1x512xf32>
    %slice3A_127 = vector.extract_strided_slice %slice3A_111 {offsets = [0, 0], sizes = [32, 512], strides = [1, 1]} : vector<52x512xf32> to vector<32x512xf32>
    %slice3A_128 = vector.extract_strided_slice %slice3A_112 {offsets = [0, 0], sizes = [32, 512], strides = [1, 1]} : vector<52x512xf32> to vector<32x512xf32>
    %add3A_129 = arith.addf %slice3A_127, %slice3A_128 : vector<32x512xf32>
    %get3A_130 = arith.constant 0 : index
    %get3A_131 = arith.constant 0 : index
    %get3A_132 = vector.load %arg3[%get3A_130, %get3A_131] : memref<32x1xf32, #tpu.memory_space<vmem>>, vector<32x1xf32>
    %mul3A_133 = vector.broadcast %get3A_132 : vector<32x1xf32> to vector<32x512xf32>
    %mul3A_134 = vector.broadcast %broadcast_in_dim3A_122 : vector<1x512xf32> to vector<32x512xf32>
    %mul3A_135 = arith.mulf %mul3A_133, %mul3A_134 : vector<32x512xf32>
    %add3A_136 = arith.addf %add3A_129, %mul3A_135 : vector<32x512xf32>
    %get3A_137 = arith.constant 0 : index
    %get3A_138 = arith.constant 0 : index
    %get3A_139 = vector.load %arg4[%get3A_137, %get3A_138] : memref<32x1xf32, #tpu.memory_space<vmem>>, vector<32x1xf32>
    %mul3A_140 = vector.broadcast %get3A_139 : vector<32x1xf32> to vector<32x512xf32>
    %mul3A_141 = vector.broadcast %broadcast_in_dim3A_126 : vector<1x512xf32> to vector<32x512xf32>
    %mul3A_142 = arith.mulf %mul3A_140, %mul3A_141 : vector<32x512xf32>
    %add3A_143 = arith.addf %add3A_136, %mul3A_142 : vector<32x512xf32>
    %get3A_144 = arith.constant 0 : index
    %get3A_145 = arith.constant 0 : index
    %get3A_146 = vector.load %arg5[%get3A_144, %get3A_145] : memref<32x1xf32, #tpu.memory_space<vmem>>, vector<32x1xf32>
    %add3A_147 = vector.broadcast %get3A_146 : vector<32x1xf32> to vector<32x512xf32>
    %add3A_148 = arith.addf %add3A_143, %add3A_147 : vector<32x512xf32>
    %logistic3A_149 = arith.negf %add3A_148 : vector<32x512xf32>
    %logistic3A_150 = math.exp %logistic3A_149 : vector<32x512xf32>
    %logistic3A_151 = arith.constant 1.000000e+00 : f32
    %logistic3A_152 = vector.broadcast %logistic3A_151 : f32 to vector<32x512xf32>
    %logistic3A_153 = arith.addf %logistic3A_152, %logistic3A_150 : vector<32x512xf32>
    %logistic3A_154 = arith.divf %logistic3A_152, %logistic3A_153 : vector<32x512xf32>
    %mul3A_155 = arith.mulf %add3A_148, %logistic3A_154 : vector<32x512xf32>
    %get3A_156 = arith.constant 0 : index
    %get3A_157 = arith.constant 0 : index
    %get3A_158 = vector.load %arg6[%get3A_156, %get3A_157] : memref<16x32xf32, #tpu.memory_space<vmem>>, vector<16x32xf32>
    %dot_general3A_159 = arith.constant dense<0.000000e+00> : vector<16x512xf32>
    %dot_general3A_160 = tpu.matmul %get3A_158, %mul3A_155, %dot_general3A_159 {dimension_numbers = #tpu.dot_dimension_numbers<[1], [0], [0], [1], [0, 0, 1, 1], [], []>, transpose_lhs_hint = false} : vector<16x32xf32>, vector<32x512xf32>, vector<16x512xf32> -> vector<16x512xf32>
    %get3A_161 = arith.constant 0 : index
    %get3A_162 = arith.constant 0 : index
    %get3A_163 = vector.load %arg7[%get3A_161, %get3A_162] : memref<16x1xf32, #tpu.memory_space<vmem>>, vector<16x1xf32>
    %add3A_164 = vector.broadcast %get3A_163 : vector<16x1xf32> to vector<16x512xf32>
    %add3A_165 = arith.addf %dot_general3A_160, %add3A_164 : vector<16x512xf32>
    %slice3A_166 = vector.extract_strided_slice %slice3A_111 {offsets = [32, 0], sizes = [16, 512], strides = [1, 1]} : vector<52x512xf32> to vector<16x512xf32>
    %slice3A_167 = vector.extract_strided_slice %slice3A_112 {offsets = [32, 0], sizes = [16, 512], strides = [1, 1]} : vector<52x512xf32> to vector<16x512xf32>
    %add3A_168 = arith.addf %slice3A_166, %slice3A_167 : vector<16x512xf32>
    %get3A_169 = arith.constant 0 : index
    %get3A_170 = arith.constant 0 : index
    %get3A_171 = vector.load %arg8[%get3A_169, %get3A_170] : memref<16x1xf32, #tpu.memory_space<vmem>>, vector<16x1xf32>
    %mul3A_172 = vector.broadcast %get3A_171 : vector<16x1xf32> to vector<16x512xf32>
    %mul3A_173 = vector.broadcast %broadcast_in_dim3A_122 : vector<1x512xf32> to vector<16x512xf32>
    %mul3A_174 = arith.mulf %mul3A_172, %mul3A_173 : vector<16x512xf32>
    %add3A_175 = arith.addf %add3A_168, %mul3A_174 : vector<16x512xf32>
    %get3A_176 = arith.constant 0 : index
    %get3A_177 = arith.constant 0 : index
    %get3A_178 = vector.load %arg9[%get3A_176, %get3A_177] : memref<16x1xf32, #tpu.memory_space<vmem>>, vector<16x1xf32>
    %mul3A_179 = vector.broadcast %get3A_178 : vector<16x1xf32> to vector<16x512xf32>
    %mul3A_180 = vector.broadcast %broadcast_in_dim3A_126 : vector<1x512xf32> to vector<16x512xf32>
    %mul3A_181 = arith.mulf %mul3A_179, %mul3A_180 : vector<16x512xf32>
    %add3A_182 = arith.addf %add3A_175, %mul3A_181 : vector<16x512xf32>
    %get3A_183 = arith.constant 0 : index
    %get3A_184 = arith.constant 0 : index
    %get3A_185 = vector.load %arg10[%get3A_183, %get3A_184] : memref<16x1xf32, #tpu.memory_space<vmem>>, vector<16x1xf32>
    %add3A_186 = vector.broadcast %get3A_185 : vector<16x1xf32> to vector<16x512xf32>
    %add3A_187 = arith.addf %add3A_182, %add3A_186 : vector<16x512xf32>
    %logistic3A_188 = arith.negf %add3A_187 : vector<16x512xf32>
    %logistic3A_189 = math.exp %logistic3A_188 : vector<16x512xf32>
    %logistic3A_190 = arith.constant 1.000000e+00 : f32
    %logistic3A_191 = vector.broadcast %logistic3A_190 : f32 to vector<16x512xf32>
    %logistic3A_192 = arith.addf %logistic3A_191, %logistic3A_189 : vector<16x512xf32>
    %logistic3A_193 = arith.divf %logistic3A_191, %logistic3A_192 : vector<16x512xf32>
    %mul3A_194 = arith.mulf %add3A_187, %logistic3A_193 : vector<16x512xf32>
    %get3A_195 = arith.constant 0 : index
    %get3A_196 = arith.constant 0 : index
    %get3A_197 = vector.load %arg11[%get3A_195, %get3A_196] : memref<1x16xf32, #tpu.memory_space<vmem>>, vector<1x16xf32>
    %dot_general3A_198 = arith.constant dense<0.000000e+00> : vector<1x512xf32>
    %dot_general3A_199 = tpu.matmul %get3A_197, %mul3A_194, %dot_general3A_198 {dimension_numbers = #tpu.dot_dimension_numbers<[1], [0], [0], [1], [0, 0, 1, 1], [], []>, transpose_lhs_hint = false} : vector<1x16xf32>, vector<16x512xf32>, vector<1x512xf32> -> vector<1x512xf32>
    %get3A_200 = arith.constant 0 : index
    %get3A_201 = arith.constant 0 : index
    %get3A_202 = vector.load %arg12[%get3A_200, %get3A_201] : memref<1x1xf32, #tpu.memory_space<vmem>>, vector<1x1xf32>
    %add3A_203 = vector.broadcast %get3A_202 : vector<1x1xf32> to vector<1x512xf32>
    %add3A_204 = arith.addf %dot_general3A_199, %add3A_203 : vector<1x512xf32>
    %mul3A_205 = vector.broadcast %add3A_204 : vector<1x512xf32> to vector<2x512xf32>
    %mul3A_206 = arith.mulf %mul3A_205, %sub3A_115 : vector<2x512xf32>
    %broadcast_in_dim3A_207 = arith.constant 0.000000e+00 : f32
    %broadcast_in_dim3A_208 = vector.broadcast %broadcast_in_dim3A_207 : f32 to vector<14x512xf32>
    %concatenate3A_209 = tpu.concatenate %add3A_165, %mul3A_206, %broadcast_in_dim3A_208 in 0 : vector<16x512xf32>, vector<2x512xf32>, vector<14x512xf32> -> vector<32x512xf32>
    %mul3A_210 = arith.constant 4 : i32
    %mul3A_211 = vector.broadcast %mul3A_210 : i32 to vector<1x512xi32>
    %mul3A_212 = arith.muli %mul3A_211, %add3A_7 : vector<1x512xi32>
    %add3A_213 = arith.constant 1 : i32
    %add3A_214 = vector.broadcast %add3A_213 : i32 to vector<1x512xi32>
    %add3A_215 = arith.addi %mul3A_212, %add3A_214 : vector<1x512xi32>
    %lt3A_216 = arith.constant 320000 : i32
    %lt3A_217 = vector.broadcast %lt3A_216 : i32 to vector<1x512xi32>
    %lt3A_218 = arith.cmpi slt, %add3A_215, %lt3A_217 : vector<1x512xi32>
    %jit3A_219 = arith.constant 0.000000e+00 : f32
    %broadcast_in_dim3A_220 = vector.shape_cast %lt3A_218 : vector<1x512xi1> to vector<1x512xi1>
    %broadcast_in_dim3A_221 = vector.broadcast %broadcast_in_dim3A_220 : vector<1x512xi1> to vector<32x512xi1>
    %broadcast_in_dim3A_222 = vector.broadcast %jit3A_219 : f32 to vector<32x512xf32>
    %select_n3A_223 = arith.select %broadcast_in_dim3A_221, %concatenate3A_209, %broadcast_in_dim3A_222 : vector<32x512xi1>, vector<32x512xf32>
    %slice3A_224 = vector.extract_strided_slice %transpose3A {offsets = [128, 0], sizes = [52, 512], strides = [1, 1]} : vector<256x512xf32> to vector<52x512xf32>
    %slice3A_225 = vector.extract_strided_slice %transpose3A_5 {offsets = [128, 0], sizes = [52, 512], strides = [1, 1]} : vector<256x512xf32> to vector<52x512xf32>
    %slice3A_226 = vector.extract_strided_slice %slice3A_224 {offsets = [48, 0], sizes = [2, 512], strides = [1, 1]} : vector<52x512xf32> to vector<2x512xf32>
    %slice3A_227 = vector.extract_strided_slice %slice3A_225 {offsets = [48, 0], sizes = [2, 512], strides = [1, 1]} : vector<52x512xf32> to vector<2x512xf32>
    %sub3A_228 = arith.subf %slice3A_226, %slice3A_227 : vector<2x512xf32>
    %slice3A_229 = vector.extract_strided_slice %slice3A_224 {offsets = [50, 0], sizes = [2, 512], strides = [1, 1]} : vector<52x512xf32> to vector<2x512xf32>
    %slice3A_230 = vector.extract_strided_slice %slice3A_225 {offsets = [50, 0], sizes = [2, 512], strides = [1, 1]} : vector<52x512xf32> to vector<2x512xf32>
    %sub3A_231 = arith.subf %slice3A_229, %slice3A_230 : vector<2x512xf32>
    %mul3A_232 = arith.mulf %sub3A_228, %sub3A_228 : vector<2x512xf32>
    %reduce_sum3A_233 = arith.constant dense<0.000000e+00> : vector<512xf32>
    %reduce_sum3A_234 = vector.multi_reduction <add>, %mul3A_232, %reduce_sum3A_233 [0] : vector<2x512xf32> to vector<512xf32>
    %broadcast_in_dim3A_235 = vector.shape_cast %reduce_sum3A_234 : vector<512xf32> to vector<1x512xf32>
    %mul3A_236 = arith.mulf %sub3A_231, %sub3A_228 : vector<2x512xf32>
    %reduce_sum3A_237 = arith.constant dense<0.000000e+00> : vector<512xf32>
    %reduce_sum3A_238 = vector.multi_reduction <add>, %mul3A_236, %reduce_sum3A_237 [0] : vector<2x512xf32> to vector<512xf32>
    %broadcast_in_dim3A_239 = vector.shape_cast %reduce_sum3A_238 : vector<512xf32> to vector<1x512xf32>
    %slice3A_240 = vector.extract_strided_slice %slice3A_224 {offsets = [0, 0], sizes = [32, 512], strides = [1, 1]} : vector<52x512xf32> to vector<32x512xf32>
    %slice3A_241 = vector.extract_strided_slice %slice3A_225 {offsets = [0, 0], sizes = [32, 512], strides = [1, 1]} : vector<52x512xf32> to vector<32x512xf32>
    %add3A_242 = arith.addf %slice3A_240, %slice3A_241 : vector<32x512xf32>
    %get3A_243 = arith.constant 0 : index
    %get3A_244 = arith.constant 0 : index
    %get3A_245 = vector.load %arg3[%get3A_243, %get3A_244] : memref<32x1xf32, #tpu.memory_space<vmem>>, vector<32x1xf32>
    %mul3A_246 = vector.broadcast %get3A_245 : vector<32x1xf32> to vector<32x512xf32>
    %mul3A_247 = vector.broadcast %broadcast_in_dim3A_235 : vector<1x512xf32> to vector<32x512xf32>
    %mul3A_248 = arith.mulf %mul3A_246, %mul3A_247 : vector<32x512xf32>
    %add3A_249 = arith.addf %add3A_242, %mul3A_248 : vector<32x512xf32>
    %get3A_250 = arith.constant 0 : index
    %get3A_251 = arith.constant 0 : index
    %get3A_252 = vector.load %arg4[%get3A_250, %get3A_251] : memref<32x1xf32, #tpu.memory_space<vmem>>, vector<32x1xf32>
    %mul3A_253 = vector.broadcast %get3A_252 : vector<32x1xf32> to vector<32x512xf32>
    %mul3A_254 = vector.broadcast %broadcast_in_dim3A_239 : vector<1x512xf32> to vector<32x512xf32>
    %mul3A_255 = arith.mulf %mul3A_253, %mul3A_254 : vector<32x512xf32>
    %add3A_256 = arith.addf %add3A_249, %mul3A_255 : vector<32x512xf32>
    %get3A_257 = arith.constant 0 : index
    %get3A_258 = arith.constant 0 : index
    %get3A_259 = vector.load %arg5[%get3A_257, %get3A_258] : memref<32x1xf32, #tpu.memory_space<vmem>>, vector<32x1xf32>
    %add3A_260 = vector.broadcast %get3A_259 : vector<32x1xf32> to vector<32x512xf32>
    %add3A_261 = arith.addf %add3A_256, %add3A_260 : vector<32x512xf32>
    %logistic3A_262 = arith.negf %add3A_261 : vector<32x512xf32>
    %logistic3A_263 = math.exp %logistic3A_262 : vector<32x512xf32>
    %logistic3A_264 = arith.constant 1.000000e+00 : f32
    %logistic3A_265 = vector.broadcast %logistic3A_264 : f32 to vector<32x512xf32>
    %logistic3A_266 = arith.addf %logistic3A_265, %logistic3A_263 : vector<32x512xf32>
    %logistic3A_267 = arith.divf %logistic3A_265, %logistic3A_266 : vector<32x512xf32>
    %mul3A_268 = arith.mulf %add3A_261, %logistic3A_267 : vector<32x512xf32>
    %get3A_269 = arith.constant 0 : index
    %get3A_270 = arith.constant 0 : index
    %get3A_271 = vector.load %arg6[%get3A_269, %get3A_270] : memref<16x32xf32, #tpu.memory_space<vmem>>, vector<16x32xf32>
    %dot_general3A_272 = arith.constant dense<0.000000e+00> : vector<16x512xf32>
    %dot_general3A_273 = tpu.matmul %get3A_271, %mul3A_268, %dot_general3A_272 {dimension_numbers = #tpu.dot_dimension_numbers<[1], [0], [0], [1], [0, 0, 1, 1], [], []>, transpose_lhs_hint = false} : vector<16x32xf32>, vector<32x512xf32>, vector<16x512xf32> -> vector<16x512xf32>
    %get3A_274 = arith.constant 0 : index
    %get3A_275 = arith.constant 0 : index
    %get3A_276 = vector.load %arg7[%get3A_274, %get3A_275] : memref<16x1xf32, #tpu.memory_space<vmem>>, vector<16x1xf32>
    %add3A_277 = vector.broadcast %get3A_276 : vector<16x1xf32> to vector<16x512xf32>
    %add3A_278 = arith.addf %dot_general3A_273, %add3A_277 : vector<16x512xf32>
    %slice3A_279 = vector.extract_strided_slice %slice3A_224 {offsets = [32, 0], sizes = [16, 512], strides = [1, 1]} : vector<52x512xf32> to vector<16x512xf32>
    %slice3A_280 = vector.extract_strided_slice %slice3A_225 {offsets = [32, 0], sizes = [16, 512], strides = [1, 1]} : vector<52x512xf32> to vector<16x512xf32>
    %add3A_281 = arith.addf %slice3A_279, %slice3A_280 : vector<16x512xf32>
    %get3A_282 = arith.constant 0 : index
    %get3A_283 = arith.constant 0 : index
    %get3A_284 = vector.load %arg8[%get3A_282, %get3A_283] : memref<16x1xf32, #tpu.memory_space<vmem>>, vector<16x1xf32>
    %mul3A_285 = vector.broadcast %get3A_284 : vector<16x1xf32> to vector<16x512xf32>
    %mul3A_286 = vector.broadcast %broadcast_in_dim3A_235 : vector<1x512xf32> to vector<16x512xf32>
    %mul3A_287 = arith.mulf %mul3A_285, %mul3A_286 : vector<16x512xf32>
    %add3A_288 = arith.addf %add3A_281, %mul3A_287 : vector<16x512xf32>
    %get3A_289 = arith.constant 0 : index
    %get3A_290 = arith.constant 0 : index
    %get3A_291 = vector.load %arg9[%get3A_289, %get3A_290] : memref<16x1xf32, #tpu.memory_space<vmem>>, vector<16x1xf32>
    %mul3A_292 = vector.broadcast %get3A_291 : vector<16x1xf32> to vector<16x512xf32>
    %mul3A_293 = vector.broadcast %broadcast_in_dim3A_239 : vector<1x512xf32> to vector<16x512xf32>
    %mul3A_294 = arith.mulf %mul3A_292, %mul3A_293 : vector<16x512xf32>
    %add3A_295 = arith.addf %add3A_288, %mul3A_294 : vector<16x512xf32>
    %get3A_296 = arith.constant 0 : index
    %get3A_297 = arith.constant 0 : index
    %get3A_298 = vector.load %arg10[%get3A_296, %get3A_297] : memref<16x1xf32, #tpu.memory_space<vmem>>, vector<16x1xf32>
    %add3A_299 = vector.broadcast %get3A_298 : vector<16x1xf32> to vector<16x512xf32>
    %add3A_300 = arith.addf %add3A_295, %add3A_299 : vector<16x512xf32>
    %logistic3A_301 = arith.negf %add3A_300 : vector<16x512xf32>
    %logistic3A_302 = math.exp %logistic3A_301 : vector<16x512xf32>
    %logistic3A_303 = arith.constant 1.000000e+00 : f32
    %logistic3A_304 = vector.broadcast %logistic3A_303 : f32 to vector<16x512xf32>
    %logistic3A_305 = arith.addf %logistic3A_304, %logistic3A_302 : vector<16x512xf32>
    %logistic3A_306 = arith.divf %logistic3A_304, %logistic3A_305 : vector<16x512xf32>
    %mul3A_307 = arith.mulf %add3A_300, %logistic3A_306 : vector<16x512xf32>
    %get3A_308 = arith.constant 0 : index
    %get3A_309 = arith.constant 0 : index
    %get3A_310 = vector.load %arg11[%get3A_308, %get3A_309] : memref<1x16xf32, #tpu.memory_space<vmem>>, vector<1x16xf32>
    %dot_general3A_311 = arith.constant dense<0.000000e+00> : vector<1x512xf32>
    %dot_general3A_312 = tpu.matmul %get3A_310, %mul3A_307, %dot_general3A_311 {dimension_numbers = #tpu.dot_dimension_numbers<[1], [0], [0], [1], [0, 0, 1, 1], [], []>, transpose_lhs_hint = false} : vector<1x16xf32>, vector<16x512xf32>, vector<1x512xf32> -> vector<1x512xf32>
    %get3A_313 = arith.constant 0 : index
    %get3A_314 = arith.constant 0 : index
    %get3A_315 = vector.load %arg12[%get3A_313, %get3A_314] : memref<1x1xf32, #tpu.memory_space<vmem>>, vector<1x1xf32>
    %add3A_316 = vector.broadcast %get3A_315 : vector<1x1xf32> to vector<1x512xf32>
    %add3A_317 = arith.addf %dot_general3A_312, %add3A_316 : vector<1x512xf32>
    %mul3A_318 = vector.broadcast %add3A_317 : vector<1x512xf32> to vector<2x512xf32>
    %mul3A_319 = arith.mulf %mul3A_318, %sub3A_228 : vector<2x512xf32>
    %broadcast_in_dim3A_320 = arith.constant 0.000000e+00 : f32
    %broadcast_in_dim3A_321 = vector.broadcast %broadcast_in_dim3A_320 : f32 to vector<14x512xf32>
    %concatenate3A_322 = tpu.concatenate %add3A_278, %mul3A_319, %broadcast_in_dim3A_321 in 0 : vector<16x512xf32>, vector<2x512xf32>, vector<14x512xf32> -> vector<32x512xf32>
    %mul3A_323 = arith.constant 4 : i32
    %mul3A_324 = vector.broadcast %mul3A_323 : i32 to vector<1x512xi32>
    %mul3A_325 = arith.muli %mul3A_324, %add3A_7 : vector<1x512xi32>
    %add3A_326 = arith.constant 2 : i32
    %add3A_327 = vector.broadcast %add3A_326 : i32 to vector<1x512xi32>
    %add3A_328 = arith.addi %mul3A_325, %add3A_327 : vector<1x512xi32>
    %lt3A_329 = arith.constant 320000 : i32
    %lt3A_330 = vector.broadcast %lt3A_329 : i32 to vector<1x512xi32>
    %lt3A_331 = arith.cmpi slt, %add3A_328, %lt3A_330 : vector<1x512xi32>
    %jit3A_332 = arith.constant 0.000000e+00 : f32
    %broadcast_in_dim3A_333 = vector.shape_cast %lt3A_331 : vector<1x512xi1> to vector<1x512xi1>
    %broadcast_in_dim3A_334 = vector.broadcast %broadcast_in_dim3A_333 : vector<1x512xi1> to vector<32x512xi1>
    %broadcast_in_dim3A_335 = vector.broadcast %jit3A_332 : f32 to vector<32x512xf32>
    %select_n3A_336 = arith.select %broadcast_in_dim3A_334, %concatenate3A_322, %broadcast_in_dim3A_335 : vector<32x512xi1>, vector<32x512xf32>
    %slice3A_337 = vector.extract_strided_slice %transpose3A {offsets = [192, 0], sizes = [52, 512], strides = [1, 1]} : vector<256x512xf32> to vector<52x512xf32>
    %slice3A_338 = vector.extract_strided_slice %transpose3A_5 {offsets = [192, 0], sizes = [52, 512], strides = [1, 1]} : vector<256x512xf32> to vector<52x512xf32>
    %slice3A_339 = vector.extract_strided_slice %slice3A_337 {offsets = [48, 0], sizes = [2, 512], strides = [1, 1]} : vector<52x512xf32> to vector<2x512xf32>
    %slice3A_340 = vector.extract_strided_slice %slice3A_338 {offsets = [48, 0], sizes = [2, 512], strides = [1, 1]} : vector<52x512xf32> to vector<2x512xf32>
    %sub3A_341 = arith.subf %slice3A_339, %slice3A_340 : vector<2x512xf32>
    %slice3A_342 = vector.extract_strided_slice %slice3A_337 {offsets = [50, 0], sizes = [2, 512], strides = [1, 1]} : vector<52x512xf32> to vector<2x512xf32>
    %slice3A_343 = vector.extract_strided_slice %slice3A_338 {offsets = [50, 0], sizes = [2, 512], strides = [1, 1]} : vector<52x512xf32> to vector<2x512xf32>
    %sub3A_344 = arith.subf %slice3A_342, %slice3A_343 : vector<2x512xf32>
    %mul3A_345 = arith.mulf %sub3A_341, %sub3A_341 : vector<2x512xf32>
    %reduce_sum3A_346 = arith.constant dense<0.000000e+00> : vector<512xf32>
    %reduce_sum3A_347 = vector.multi_reduction <add>, %mul3A_345, %reduce_sum3A_346 [0] : vector<2x512xf32> to vector<512xf32>
    %broadcast_in_dim3A_348 = vector.shape_cast %reduce_sum3A_347 : vector<512xf32> to vector<1x512xf32>
    %mul3A_349 = arith.mulf %sub3A_344, %sub3A_341 : vector<2x512xf32>
    %reduce_sum3A_350 = arith.constant dense<0.000000e+00> : vector<512xf32>
    %reduce_sum3A_351 = vector.multi_reduction <add>, %mul3A_349, %reduce_sum3A_350 [0] : vector<2x512xf32> to vector<512xf32>
    %broadcast_in_dim3A_352 = vector.shape_cast %reduce_sum3A_351 : vector<512xf32> to vector<1x512xf32>
    %slice3A_353 = vector.extract_strided_slice %slice3A_337 {offsets = [0, 0], sizes = [32, 512], strides = [1, 1]} : vector<52x512xf32> to vector<32x512xf32>
    %slice3A_354 = vector.extract_strided_slice %slice3A_338 {offsets = [0, 0], sizes = [32, 512], strides = [1, 1]} : vector<52x512xf32> to vector<32x512xf32>
    %add3A_355 = arith.addf %slice3A_353, %slice3A_354 : vector<32x512xf32>
    %get3A_356 = arith.constant 0 : index
    %get3A_357 = arith.constant 0 : index
    %get3A_358 = vector.load %arg3[%get3A_356, %get3A_357] : memref<32x1xf32, #tpu.memory_space<vmem>>, vector<32x1xf32>
    %mul3A_359 = vector.broadcast %get3A_358 : vector<32x1xf32> to vector<32x512xf32>
    %mul3A_360 = vector.broadcast %broadcast_in_dim3A_348 : vector<1x512xf32> to vector<32x512xf32>
    %mul3A_361 = arith.mulf %mul3A_359, %mul3A_360 : vector<32x512xf32>
    %add3A_362 = arith.addf %add3A_355, %mul3A_361 : vector<32x512xf32>
    %get3A_363 = arith.constant 0 : index
    %get3A_364 = arith.constant 0 : index
    %get3A_365 = vector.load %arg4[%get3A_363, %get3A_364] : memref<32x1xf32, #tpu.memory_space<vmem>>, vector<32x1xf32>
    %mul3A_366 = vector.broadcast %get3A_365 : vector<32x1xf32> to vector<32x512xf32>
    %mul3A_367 = vector.broadcast %broadcast_in_dim3A_352 : vector<1x512xf32> to vector<32x512xf32>
    %mul3A_368 = arith.mulf %mul3A_366, %mul3A_367 : vector<32x512xf32>
    %add3A_369 = arith.addf %add3A_362, %mul3A_368 : vector<32x512xf32>
    %get3A_370 = arith.constant 0 : index
    %get3A_371 = arith.constant 0 : index
    %get3A_372 = vector.load %arg5[%get3A_370, %get3A_371] : memref<32x1xf32, #tpu.memory_space<vmem>>, vector<32x1xf32>
    %add3A_373 = vector.broadcast %get3A_372 : vector<32x1xf32> to vector<32x512xf32>
    %add3A_374 = arith.addf %add3A_369, %add3A_373 : vector<32x512xf32>
    %logistic3A_375 = arith.negf %add3A_374 : vector<32x512xf32>
    %logistic3A_376 = math.exp %logistic3A_375 : vector<32x512xf32>
    %logistic3A_377 = arith.constant 1.000000e+00 : f32
    %logistic3A_378 = vector.broadcast %logistic3A_377 : f32 to vector<32x512xf32>
    %logistic3A_379 = arith.addf %logistic3A_378, %logistic3A_376 : vector<32x512xf32>
    %logistic3A_380 = arith.divf %logistic3A_378, %logistic3A_379 : vector<32x512xf32>
    %mul3A_381 = arith.mulf %add3A_374, %logistic3A_380 : vector<32x512xf32>
    %get3A_382 = arith.constant 0 : index
    %get3A_383 = arith.constant 0 : index
    %get3A_384 = vector.load %arg6[%get3A_382, %get3A_383] : memref<16x32xf32, #tpu.memory_space<vmem>>, vector<16x32xf32>
    %dot_general3A_385 = arith.constant dense<0.000000e+00> : vector<16x512xf32>
    %dot_general3A_386 = tpu.matmul %get3A_384, %mul3A_381, %dot_general3A_385 {dimension_numbers = #tpu.dot_dimension_numbers<[1], [0], [0], [1], [0, 0, 1, 1], [], []>, transpose_lhs_hint = false} : vector<16x32xf32>, vector<32x512xf32>, vector<16x512xf32> -> vector<16x512xf32>
    %get3A_387 = arith.constant 0 : index
    %get3A_388 = arith.constant 0 : index
    %get3A_389 = vector.load %arg7[%get3A_387, %get3A_388] : memref<16x1xf32, #tpu.memory_space<vmem>>, vector<16x1xf32>
    %add3A_390 = vector.broadcast %get3A_389 : vector<16x1xf32> to vector<16x512xf32>
    %add3A_391 = arith.addf %dot_general3A_386, %add3A_390 : vector<16x512xf32>
    %slice3A_392 = vector.extract_strided_slice %slice3A_337 {offsets = [32, 0], sizes = [16, 512], strides = [1, 1]} : vector<52x512xf32> to vector<16x512xf32>
    %slice3A_393 = vector.extract_strided_slice %slice3A_338 {offsets = [32, 0], sizes = [16, 512], strides = [1, 1]} : vector<52x512xf32> to vector<16x512xf32>
    %add3A_394 = arith.addf %slice3A_392, %slice3A_393 : vector<16x512xf32>
    %get3A_395 = arith.constant 0 : index
    %get3A_396 = arith.constant 0 : index
    %get3A_397 = vector.load %arg8[%get3A_395, %get3A_396] : memref<16x1xf32, #tpu.memory_space<vmem>>, vector<16x1xf32>
    %mul3A_398 = vector.broadcast %get3A_397 : vector<16x1xf32> to vector<16x512xf32>
    %mul3A_399 = vector.broadcast %broadcast_in_dim3A_348 : vector<1x512xf32> to vector<16x512xf32>
    %mul3A_400 = arith.mulf %mul3A_398, %mul3A_399 : vector<16x512xf32>
    %add3A_401 = arith.addf %add3A_394, %mul3A_400 : vector<16x512xf32>
    %get3A_402 = arith.constant 0 : index
    %get3A_403 = arith.constant 0 : index
    %get3A_404 = vector.load %arg9[%get3A_402, %get3A_403] : memref<16x1xf32, #tpu.memory_space<vmem>>, vector<16x1xf32>
    %mul3A_405 = vector.broadcast %get3A_404 : vector<16x1xf32> to vector<16x512xf32>
    %mul3A_406 = vector.broadcast %broadcast_in_dim3A_352 : vector<1x512xf32> to vector<16x512xf32>
    %mul3A_407 = arith.mulf %mul3A_405, %mul3A_406 : vector<16x512xf32>
    %add3A_408 = arith.addf %add3A_401, %mul3A_407 : vector<16x512xf32>
    %get3A_409 = arith.constant 0 : index
    %get3A_410 = arith.constant 0 : index
    %get3A_411 = vector.load %arg10[%get3A_409, %get3A_410] : memref<16x1xf32, #tpu.memory_space<vmem>>, vector<16x1xf32>
    %add3A_412 = vector.broadcast %get3A_411 : vector<16x1xf32> to vector<16x512xf32>
    %add3A_413 = arith.addf %add3A_408, %add3A_412 : vector<16x512xf32>
    %logistic3A_414 = arith.negf %add3A_413 : vector<16x512xf32>
    %logistic3A_415 = math.exp %logistic3A_414 : vector<16x512xf32>
    %logistic3A_416 = arith.constant 1.000000e+00 : f32
    %logistic3A_417 = vector.broadcast %logistic3A_416 : f32 to vector<16x512xf32>
    %logistic3A_418 = arith.addf %logistic3A_417, %logistic3A_415 : vector<16x512xf32>
    %logistic3A_419 = arith.divf %logistic3A_417, %logistic3A_418 : vector<16x512xf32>
    %mul3A_420 = arith.mulf %add3A_413, %logistic3A_419 : vector<16x512xf32>
    %get3A_421 = arith.constant 0 : index
    %get3A_422 = arith.constant 0 : index
    %get3A_423 = vector.load %arg11[%get3A_421, %get3A_422] : memref<1x16xf32, #tpu.memory_space<vmem>>, vector<1x16xf32>
    %dot_general3A_424 = arith.constant dense<0.000000e+00> : vector<1x512xf32>
    %dot_general3A_425 = tpu.matmul %get3A_423, %mul3A_420, %dot_general3A_424 {dimension_numbers = #tpu.dot_dimension_numbers<[1], [0], [0], [1], [0, 0, 1, 1], [], []>, transpose_lhs_hint = false} : vector<1x16xf32>, vector<16x512xf32>, vector<1x512xf32> -> vector<1x512xf32>
    %get3A_426 = arith.constant 0 : index
    %get3A_427 = arith.constant 0 : index
    %get3A_428 = vector.load %arg12[%get3A_426, %get3A_427] : memref<1x1xf32, #tpu.memory_space<vmem>>, vector<1x1xf32>
    %add3A_429 = vector.broadcast %get3A_428 : vector<1x1xf32> to vector<1x512xf32>
    %add3A_430 = arith.addf %dot_general3A_425, %add3A_429 : vector<1x512xf32>
    %mul3A_431 = vector.broadcast %add3A_430 : vector<1x512xf32> to vector<2x512xf32>
    %mul3A_432 = arith.mulf %mul3A_431, %sub3A_341 : vector<2x512xf32>
    %broadcast_in_dim3A_433 = arith.constant 0.000000e+00 : f32
    %broadcast_in_dim3A_434 = vector.broadcast %broadcast_in_dim3A_433 : f32 to vector<14x512xf32>
    %concatenate3A_435 = tpu.concatenate %add3A_391, %mul3A_432, %broadcast_in_dim3A_434 in 0 : vector<16x512xf32>, vector<2x512xf32>, vector<14x512xf32> -> vector<32x512xf32>
    %mul3A_436 = arith.constant 4 : i32
    %mul3A_437 = vector.broadcast %mul3A_436 : i32 to vector<1x512xi32>
    %mul3A_438 = arith.muli %mul3A_437, %add3A_7 : vector<1x512xi32>
    %add3A_439 = arith.constant 3 : i32
    %add3A_440 = vector.broadcast %add3A_439 : i32 to vector<1x512xi32>
    %add3A_441 = arith.addi %mul3A_438, %add3A_440 : vector<1x512xi32>
    %lt3A_442 = arith.constant 320000 : i32
    %lt3A_443 = vector.broadcast %lt3A_442 : i32 to vector<1x512xi32>
    %lt3A_444 = arith.cmpi slt, %add3A_441, %lt3A_443 : vector<1x512xi32>
    %jit3A_445 = arith.constant 0.000000e+00 : f32
    %broadcast_in_dim3A_446 = vector.shape_cast %lt3A_444 : vector<1x512xi1> to vector<1x512xi1>
    %broadcast_in_dim3A_447 = vector.broadcast %broadcast_in_dim3A_446 : vector<1x512xi1> to vector<32x512xi1>
    %broadcast_in_dim3A_448 = vector.broadcast %jit3A_445 : f32 to vector<32x512xf32>
    %select_n3A_449 = arith.select %broadcast_in_dim3A_447, %concatenate3A_435, %broadcast_in_dim3A_448 : vector<32x512xi1>, vector<32x512xf32>
    %concatenate3A_450 = tpu.concatenate %select_n3A, %select_n3A_223, %select_n3A_336, %select_n3A_449 in 0 : vector<32x512xf32>, vector<32x512xf32>, vector<32x512xf32>, vector<32x512xf32> -> vector<128x512xf32>
    %transpose3A_451 = tpu.transpose %concatenate3A_450, [1, 0] : vector<128x512xf32> -> vector<512x128xf32>
    %swap3A = arith.constant 0 : index
    %swap3A_452 = arith.constant 0 : index
    %swap3A_453 = vector.load %arg13[%swap3A, %swap3A_452] : memref<512x128xf32, #tpu.memory_space<vmem>>, vector<512x128xf32>
    tpu.vector_store %arg13[%swap3A, %swap3A_452], %transpose3A_451 {strides = array<i32>} : memref<512x128xf32, #tpu.memory_space<vmem>>, vector<512x128xf32>,
    return
  }
  func.func @transform_0(%arg0: i32) -> (i32, i32) {
    %c0_i32 = arith.constant 0 : i32
    %c0_i32_0 = arith.constant 0 : i32
    return %arg0, %c0_i32 : i32, i32
  }
  func.func @transform_1(%arg0: i32) -> (i32, i32) {
    %c0_i32 = arith.constant 0 : i32
    %c0_i32_0 = arith.constant 0 : i32
    return %arg0, %c0_i32 : i32, i32
  }
  func.func @transform_2(%arg0: i32) -> (i32, i32) {
    %c0_i32 = arith.constant 0 : i32
    %c0_i32_0 = arith.constant 0 : i32
    %c0_i32_1 = arith.constant 0 : i32
    return %c0_i32, %c0_i32_0 : i32, i32
  }
  func.func @transform_3(%arg0: i32) -> (i32, i32) {
    %c0_i32 = arith.constant 0 : i32
    %c0_i32_0 = arith.constant 0 : i32
    %c0_i32_1 = arith.constant 0 : i32
    return %c0_i32, %c0_i32_0 : i32, i32
  }
  func.func @transform_4(%arg0: i32) -> (i32, i32) {
    %c0_i32 = arith.constant 0 : i32
    %c0_i32_0 = arith.constant 0 : i32
    %c0_i32_1 = arith.constant 0 : i32
    return %c0_i32, %c0_i32_0 : i32, i32
  }
  func.func @transform_5(%arg0: i32) -> (i32, i32) {
    %c0_i32 = arith.constant 0 : i32
    %c0_i32_0 = arith.constant 0 : i32
    %c0_i32_1 = arith.constant 0 : i32
    return %c0_i32, %c0_i32_0 : i32, i32
  }
  func.func @transform_6(%arg0: i32) -> (i32, i32) {
    %c0_i32 = arith.constant 0 : i32
    %c0_i32_0 = arith.constant 0 : i32
    %c0_i32_1 = arith.constant 0 : i32
    return %c0_i32, %c0_i32_0 : i32, i32
  }
  func.func @transform_7(%arg0: i32) -> (i32, i32) {
    %c0_i32 = arith.constant 0 : i32
    %c0_i32_0 = arith.constant 0 : i32
    %c0_i32_1 = arith.constant 0 : i32
    return %c0_i32, %c0_i32_0 : i32, i32
  }
  func.func @transform_8(%arg0: i32) -> (i32, i32) {
    %c0_i32 = arith.constant 0 : i32
    %c0_i32_0 = arith.constant 0 : i32
    %c0_i32_1 = arith.constant 0 : i32
    return %c0_i32, %c0_i32_0 : i32, i32
  }
  func.func @transform_9(%arg0: i32) -> (i32, i32) {
    %c0_i32 = arith.constant 0 : i32
    %c0_i32_0 = arith.constant 0 : i32
    %c0_i32_1 = arith.constant 0 : i32
    return %c0_i32, %c0_i32_0 : i32, i32
  }
  func.func @transform_10(%arg0: i32) -> (i32, i32) {
    %c0_i32 = arith.constant 0 : i32
    %c0_i32_0 = arith.constant 0 : i32
    %c0_i32_1 = arith.constant 0 : i32
    return %c0_i32, %c0_i32_0 : i32, i32
  }
  func.func @transform_11(%arg0: i32) -> (i32, i32) {
    %c0_i32 = arith.constant 0 : i32
    %c0_i32_0 = arith.constant 0 : i32
    %c0_i32_1 = arith.constant 0 : i32
    return %c0_i32, %c0_i32_0 : i32, i32
  }
  func.func @transform_12(%arg0: i32) -> (i32, i32) {
    %c0_i32 = arith.constant 0 : i32
    %c0_i32_0 = arith.constant 0 : i32
    return %arg0, %c0_i32 : i32, i32
  }
}

module attributes {stable_mosaic.version = 14 : i64} {
  func.func @_node_body(%arg0: i32, %arg1: memref<2000x128xf32, #tpu.memory_space<vmem>>, %arg2: memref<2x2000x32xf32, #tpu.memory_space<vmem>>, %arg3: memref<128x16xf32, #tpu.memory_space<vmem>>, %arg4: memref<16x16xf32, #tpu.memory_space<vmem>>, %arg5: memref<1x16xf32, #tpu.memory_space<vmem>>, %arg6: memref<1x16xf32, #tpu.memory_space<vmem>>, %arg7: memref<16x128xf32, #tpu.memory_space<vmem>>, %arg8: memref<1x128xf32, #tpu.memory_space<vmem>>, %arg9: memref<2000x128xf32, #tpu.memory_space<vmem>>) attributes {dimension_semantics = [#tpu.dimension_semantics<arbitrary>], iteration_bounds = array<i64: 5>, scalar_prefetch = 0 : i64, scratch_operands = 0 : i64, tpu.core_type = #tpu.core_type<tc>, window_params = [{transform_indices = @transform_0, window_bounds = array<i64: 2000, 128>}, {transform_indices = @transform_1, window_bounds = array<i64: 2, 2000, 32>}, {pipeline_mode = #tpu.pipeline_mode<synchronous>, transform_indices = @transform_2, window_bounds = array<i64: 128, 16>}, {pipeline_mode = #tpu.pipeline_mode<synchronous>, transform_indices = @transform_3, window_bounds = array<i64: 16, 16>}, {pipeline_mode = #tpu.pipeline_mode<synchronous>, transform_indices = @transform_4, window_bounds = array<i64: 1, 16>}, {pipeline_mode = #tpu.pipeline_mode<synchronous>, transform_indices = @transform_5, window_bounds = array<i64: 1, 16>}, {pipeline_mode = #tpu.pipeline_mode<synchronous>, transform_indices = @transform_6, window_bounds = array<i64: 16, 128>}, {pipeline_mode = #tpu.pipeline_mode<synchronous>, transform_indices = @transform_7, window_bounds = array<i64: 1, 128>}, {transform_indices = @transform_8, window_bounds = array<i64: 2000, 128>}]} {
    %get3A = arith.constant 0 : index
    %get3A_0 = arith.constant 0 : index
    %get3A_1 = vector.load %arg1[%get3A, %get3A_0] : memref<2000x128xf32, #tpu.memory_space<vmem>>, vector<2000x128xf32>
    %get3A_2 = arith.constant 0 : index
    %get3A_3 = arith.constant 0 : index
    %get3A_4 = arith.constant 0 : index
    %get3A_5 = vector.load %arg2[%get3A_2, %get3A_3, %get3A_4] : memref<2x2000x32xf32, #tpu.memory_space<vmem>>, vector<1x2000x32xf32>
    %get3A_6 = vector.shape_cast %get3A_5 : vector<1x2000x32xf32> to vector<2000x32xf32>
    %get3A_7 = arith.constant 1 : index
    %get3A_8 = arith.constant 0 : index
    %get3A_9 = arith.constant 0 : index
    %get3A_10 = vector.load %arg2[%get3A_7, %get3A_8, %get3A_9] : memref<2x2000x32xf32, #tpu.memory_space<vmem>>, vector<1x2000x32xf32>
    %get3A_11 = vector.shape_cast %get3A_10 : vector<1x2000x32xf32> to vector<2000x32xf32>
    %add3A = arith.addf %get3A_6, %get3A_11 : vector<2000x32xf32>
    %slice3A = vector.extract_strided_slice %add3A {offsets = [0, 0], sizes = [2000, 16], strides = [1, 1]} : vector<2000x32xf32> to vector<2000x16xf32>
    %slice3A_12 = vector.extract_strided_slice %add3A {offsets = [0, 16], sizes = [2000, 2], strides = [1, 1]} : vector<2000x32xf32> to vector<2000x2xf32>
    %mul3A = arith.mulf %slice3A_12, %slice3A_12 : vector<2000x2xf32>
    %reduce_sum3A = arith.constant dense<0.000000e+00> : vector<2000xf32>
    %reduce_sum3A_13 = vector.multi_reduction <add>, %mul3A, %reduce_sum3A [1] : vector<2000x2xf32> to vector<2000xf32>
    %broadcast_in_dim3A = vector.shape_cast %reduce_sum3A_13 : vector<2000xf32> to vector<2000x1xf32>
    %sqrt3A = math.sqrt %broadcast_in_dim3A : vector<2000x1xf32>
    %get3A_14 = arith.constant 0 : index
    %get3A_15 = arith.constant 0 : index
    %get3A_16 = vector.load %arg3[%get3A_14, %get3A_15] : memref<128x16xf32, #tpu.memory_space<vmem>>, vector<128x16xf32>
    %dot_general3A = arith.constant dense<0.000000e+00> : vector<2000x16xf32>
    %dot_general3A_17 = tpu.matmul %get3A_1, %get3A_16, %dot_general3A {dimension_numbers = #tpu.dot_dimension_numbers<[1], [0], [0], [1], [0, 0, 1, 1], [], []>, transpose_lhs_hint = false} : vector<2000x128xf32>, vector<128x16xf32>, vector<2000x16xf32> -> vector<2000x16xf32>
    %get3A_18 = arith.constant 0 : index
    %get3A_19 = arith.constant 0 : index
    %get3A_20 = vector.load %arg4[%get3A_18, %get3A_19] : memref<16x16xf32, #tpu.memory_space<vmem>>, vector<16x16xf32>
    %dot_general3A_21 = arith.constant dense<0.000000e+00> : vector<2000x16xf32>
    %dot_general3A_22 = tpu.matmul %slice3A, %get3A_20, %dot_general3A_21 {dimension_numbers = #tpu.dot_dimension_numbers<[1], [0], [0], [1], [0, 0, 1, 1], [], []>, transpose_lhs_hint = false} : vector<2000x16xf32>, vector<16x16xf32>, vector<2000x16xf32> -> vector<2000x16xf32>
    %add3A_23 = arith.addf %dot_general3A_17, %dot_general3A_22 : vector<2000x16xf32>
    %get3A_24 = arith.constant 0 : index
    %get3A_25 = arith.constant 0 : index
    %get3A_26 = vector.load %arg5[%get3A_24, %get3A_25] : memref<1x16xf32, #tpu.memory_space<vmem>>, vector<1x16xf32>
    %mul3A_27 = vector.broadcast %sqrt3A : vector<2000x1xf32> to vector<2000x16xf32>
    %mul3A_28 = vector.broadcast %get3A_26 : vector<1x16xf32> to vector<2000x16xf32>
    %mul3A_29 = arith.mulf %mul3A_27, %mul3A_28 : vector<2000x16xf32>
    %add3A_30 = arith.addf %add3A_23, %mul3A_29 : vector<2000x16xf32>
    %get3A_31 = arith.constant 0 : index
    %get3A_32 = arith.constant 0 : index
    %get3A_33 = vector.load %arg6[%get3A_31, %get3A_32] : memref<1x16xf32, #tpu.memory_space<vmem>>, vector<1x16xf32>
    %add3A_34 = vector.broadcast %get3A_33 : vector<1x16xf32> to vector<2000x16xf32>
    %add3A_35 = arith.addf %add3A_30, %add3A_34 : vector<2000x16xf32>
    %logistic3A = arith.negf %add3A_35 : vector<2000x16xf32>
    %logistic3A_36 = math.exp %logistic3A : vector<2000x16xf32>
    %logistic3A_37 = arith.constant 1.000000e+00 : f32
    %logistic3A_38 = vector.broadcast %logistic3A_37 : f32 to vector<2000x16xf32>
    %logistic3A_39 = arith.addf %logistic3A_38, %logistic3A_36 : vector<2000x16xf32>
    %logistic3A_40 = arith.divf %logistic3A_38, %logistic3A_39 : vector<2000x16xf32>
    %mul3A_41 = arith.mulf %add3A_35, %logistic3A_40 : vector<2000x16xf32>
    %get3A_42 = arith.constant 0 : index
    %get3A_43 = arith.constant 0 : index
    %get3A_44 = vector.load %arg7[%get3A_42, %get3A_43] : memref<16x128xf32, #tpu.memory_space<vmem>>, vector<16x128xf32>
    %dot_general3A_45 = arith.constant dense<0.000000e+00> : vector<2000x128xf32>
    %dot_general3A_46 = tpu.matmul %mul3A_41, %get3A_44, %dot_general3A_45 {dimension_numbers = #tpu.dot_dimension_numbers<[1], [0], [0], [1], [0, 0, 1, 1], [], []>, transpose_lhs_hint = false} : vector<2000x16xf32>, vector<16x128xf32>, vector<2000x128xf32> -> vector<2000x128xf32>
    %add3A_47 = arith.addf %get3A_1, %dot_general3A_46 : vector<2000x128xf32>
    %get3A_48 = arith.constant 0 : index
    %get3A_49 = arith.constant 0 : index
    %get3A_50 = vector.load %arg8[%get3A_48, %get3A_49] : memref<1x128xf32, #tpu.memory_space<vmem>>, vector<1x128xf32>
    %add3A_51 = vector.broadcast %get3A_50 : vector<1x128xf32> to vector<2000x128xf32>
    %add3A_52 = arith.addf %add3A_47, %add3A_51 : vector<2000x128xf32>
    %swap3A = arith.constant 0 : index
    %swap3A_53 = arith.constant 0 : index
    %swap3A_54 = vector.load %arg9[%swap3A, %swap3A_53] : memref<2000x128xf32, #tpu.memory_space<vmem>>, vector<2000x128xf32>
    tpu.vector_store %arg9[%swap3A, %swap3A_53], %add3A_52 {strides = array<i32>} : memref<2000x128xf32, #tpu.memory_space<vmem>>, vector<2000x128xf32>,
    return
  }
  func.func @transform_0(%arg0: i32) -> (i32, i32) {
    %c0_i32 = arith.constant 0 : i32
    %c0_i32_0 = arith.constant 0 : i32
    return %arg0, %c0_i32 : i32, i32
  }
  func.func @transform_1(%arg0: i32) -> (i32, i32, i32) {
    %c0_i32 = arith.constant 0 : i32
    %c0_i32_0 = arith.constant 0 : i32
    %c0_i32_1 = arith.constant 0 : i32
    return %c0_i32, %arg0, %c0_i32_0 : i32, i32, i32
  }
  func.func @transform_2(%arg0: i32) -> (i32, i32) {
    %c0_i32 = arith.constant 0 : i32
    %c0_i32_0 = arith.constant 0 : i32
    %c0_i32_1 = arith.constant 0 : i32
    return %c0_i32, %c0_i32_0 : i32, i32
  }
  func.func @transform_3(%arg0: i32) -> (i32, i32) {
    %c0_i32 = arith.constant 0 : i32
    %c0_i32_0 = arith.constant 0 : i32
    %c0_i32_1 = arith.constant 0 : i32
    return %c0_i32, %c0_i32_0 : i32, i32
  }
  func.func @transform_4(%arg0: i32) -> (i32, i32) {
    %c0_i32 = arith.constant 0 : i32
    %c0_i32_0 = arith.constant 0 : i32
    %c0_i32_1 = arith.constant 0 : i32
    return %c0_i32, %c0_i32_0 : i32, i32
  }
  func.func @transform_5(%arg0: i32) -> (i32, i32) {
    %c0_i32 = arith.constant 0 : i32
    %c0_i32_0 = arith.constant 0 : i32
    %c0_i32_1 = arith.constant 0 : i32
    return %c0_i32, %c0_i32_0 : i32, i32
  }
  func.func @transform_6(%arg0: i32) -> (i32, i32) {
    %c0_i32 = arith.constant 0 : i32
    %c0_i32_0 = arith.constant 0 : i32
    %c0_i32_1 = arith.constant 0 : i32
    return %c0_i32, %c0_i32_0 : i32, i32
  }
  func.func @transform_7(%arg0: i32) -> (i32, i32) {
    %c0_i32 = arith.constant 0 : i32
    %c0_i32_0 = arith.constant 0 : i32
    %c0_i32_1 = arith.constant 0 : i32
    return %c0_i32, %c0_i32_0 : i32, i32
  }
  func.func @transform_8(%arg0: i32) -> (i32, i32) {
    %c0_i32 = arith.constant 0 : i32
    %c0_i32_0 = arith.constant 0 : i32
    return %arg0, %c0_i32 : i32, i32
  }
}

</mosaic_0001>

<sc_bundles>
// kernel: kernel.10.cloned.1.call-start
scs
__scs_entry_jumppad:
0x0: {  	(pc) =	sbr.rel $0x88, $3  }
0x1: {  	(tag) =	ssettag $0x0;
	lr =	simm.s32 $0x1  }
0x2: {  	[smem:$0x3F91] =	sst lr;
	_ =	strace $0xD0000000  }
0x3: {  	_ = 	snop  }
0x4: {  	_ = 	snop  }
0x5: {  	_ = 	snop  }
0x6: {  	_ = 	snop  }
0x7: {  	_ = 	snop  }
__scs_overlays_trampoline_lowered:
0x8: {  	[smem:$0x3FA0] =	sst s0  }
0x9: {  	[smem:$0x3FA1] =	sst s1  }
0xa: {  	[smem:$0x3FA2] =	sst s2  }
0xb: {  	[smem:$0x3FA3] =	sst s3  }
0xc: {  	[smem:$0x3FA4] =	sst s4  }
0xd: {  	[smem:$0x3FA5] =	sst s5  }
0xe: {  	[smem:$0x3FA6] =	sst s6  }
0xf: {  	[smem:$0x3FA7] =	sst s7  }
0x10: {  	[smem:$0x3FA8] =	sst s8  }
0x11: {  	[smem:$0x3FA9] =	sst s9;
	s0 =	simm.s32 @!p0 $0x0  }
0x12: {  	s1 =	sld [smem:$0x3F8F];
	s0 =	simm.s32 @p0 $0x1  }
0x13: {  	[smem:$0x3FAA] =	sst s0;
	s0 =	simm.s32 @!p1 $0x0  }
0x14: {  	s2 =	sld [smem:$0x3F8E];
	s0 =	simm.s32 @p1 $0x1  }
0x15: {  	[smem:$0x3FAB] =	sst s0;
	s0 =	simm.s32 @!p2 $0x0  }
0x16: {  	s3 =	sld [smem:$0x3FDB];
	s0 =	simm.s32 @p2 $0x1  }
0x17: {  	s4 =	simm.s32 $0x1BF5;
	[smem:$0x3FAD] =	sst s0  }
0x18: {  	s0 =	sld [smem:$0x3F90];
	_ =	swait.ge [sflag:s4], $0x0  }
0x19: {  	s7 =	sld [smem:$0x3F91]  }
0x1a: {  	s8 =	sadd.s32 $0xFFFFE003, lr  }
0x1b: {  	s9 =	sadd.s32 $0xFFFFFEF7, lr;
	s5 =	simm.s32 $0xFFFFFFFF;
	p2 =	slt.u32 s8, $0xFFFFF086  }
0x1c: {  	p1 =	slt.u32 s9, $0xF7A;
	s5 =	simm.s32 @!p2 $0x0  }
0x1d: {  	s5 =	simm.s32 @p1 $0x1;
	p0 =	seq.s32 s7, s2  }
0x1e: {  	s7 =	smul.u32 @!p0 $0xF7A, s2;
	p2 =	seq.s32 @!p0 s5, $0x0  }
0x1f: {  	s9 =	smul.u32 $0xF7A, s1;
	s8 =	simm.s32 @!p0 $0x1BF5;
	p2 =	por !p2, p0  }
0x20: {  	[sflag:s8] =	ssyncset.s32 @!p0 $0xFFFFF086;
	s6 =	sadd.s32 @!p0 s3, s7;
	s7 =	simm.s32 @!p0 $0x108  }
0x21: {  	s3 =	sadd.s32 s3, s9;
	s6 =	sadd.s32 @!p0 $0x88, s6;
	s7 =	simm.s32 @p2 $0x1082  }
0x22: {  	[simem:s7], [sflag:s8] =	dma.local @!p0 [hbm:s6], $0xF7A  }
0x23: {  	s9 =	sor.u32 $0xD0000000, s2;
	s6 =	simm.s32 $0x108;
	_ =	swait.ge @!p0 [sflag:s8], $0x0  }
0x24: {  	s3 =	sadd.s32 $0x88, s3;
	s6 =	simm.s32 @!p1 $0x1082;
	[sflag:s4] =	ssyncset.s32 $0xFFFFF086  }
0x25: {  	[simem:s6], [sflag:s4] =	dma.local [hbm:s3], $0xF7A  }
0x26: {  	[smem:$0x3F91] =	sst s1;
	(tag) =	ssettag s2;
	_ =	strace s9  }
0x27: {  	s1 =	sld [smem:$0x3FA1]  }
0x28: {  	s2 =	sld [smem:$0x3FA2]  }
0x29: {  	s4 =	sld [smem:$0x3FA4]  }
0x2a: {  	p0 =	seq.s32 s5, $0x0;
	s5 =	sld [smem:$0x3FA5]  }
0x2b: {  	s6 =	sld [smem:$0x3FA6]  }
0x2c: {  	s7 =	sld [smem:$0x3FA7]  }
0x2d: {  	s3 =	simm.s32 $0x108;
	s8 =	sld [smem:$0x3FA8]  }
0x2e: {  	s3 =	simm.s32 @!p0 $0x1082;
	s9 =	sld [smem:$0x3FA9]  }
0x2f: {  	lr =	sadd.s32 s0, s3;
	s0 =	sld [smem:$0x3FA0]  }
0x30: {  	s3 =	sld [smem:$0x3FA3]  }
0x31: {  	[smem:$0x3FAC] =	sst s10  }
0x32: {  	s10 =	sld [smem:$0x3FAA];
	_ =	sdelay $0x3  }
0x33: {  	p0 =	seq.s32 s10, $0x1;
	s10 =	sld [smem:$0x3FAC];
	_ =	sdelay $0x3  }
0x34: {  	[smem:$0x3FAC] =	sst s10  }
0x35: {  	s10 =	sld [smem:$0x3FAB];
	_ =	sdelay $0x3  }
0x36: {  	p1 =	seq.s32 s10, $0x1;
	s10 =	sld [smem:$0x3FAC];
	_ =	sdelay $0x3  }
0x37: {  	[smem:$0x3FAC] =	sst s10  }
0x38: {  	s10 =	sld [smem:$0x3FAD]  }
0x39: {  	_ = 	snop;
	(pc) =	sbr.ind lr, $3  }
0x3a: {  	_ = 	snop  }
0x3b: {  	_ = 	snop  }
0x3c: {  	p2 =	seq.s32 s10, $0x1;
	s10 =	sld [smem:$0x3FAC]  }
0x3d: {  	_ =	shalt  }
0x3e: {  	_ =	shalt  }
0x3f: {  	_ =	shalt  }
0x40: {  	_ =	shalt  }
0x41: {  	_ =	shalt  }
0x42: {  	_ =	shalt  }
0x43: {  	_ =	shalt  }
0x44: {  	_ =	shalt  }
0x45: {  	_ =	shalt  }
0x46: {  	_ =	shalt  }
0x47: {  	_ =	shalt  }
0x48: {  	_ =	shalt  }
0x49: {  	_ =	shalt  }
0x4a: {  	_ =	shalt  }
0x4b: {  	_ =	shalt  }
0x4c: {  	_ =	shalt  }
0x4d: {  	_ =	shalt  }
0x4e: {  	_ =	shalt  }
0x4f: {  	_ =	shalt  }
0x50: {  	_ =	shalt  }
0x51: {  	_ =	shalt  }
0x52: {  	_ =	shalt  }
0x53: {  	_ =	shalt  }
0x54: {  	_ =	shalt  }
0x55: {  	_ =	shalt  }
0x56: {  	_ =	shalt  }
0x57: {  	_ =	shalt  }
0x58: {  	_ =	shalt  }
0x59: {  	_ =	shalt  }
0x5a: {  	_ =	shalt  }
0x5b: {  	_ =	shalt  }
0x5c: {  	_ =	shalt  }
0x5d: {  	_ =	shalt  }
0x5e: {  	_ =	shalt  }
0x5f: {  	_ =	shalt  }
0x60: {  	_ =	shalt  }
0x61: {  	_ =	shalt  }
0x62: {  	_ =	shalt  }
0x63: {  	_ =	shalt  }
0x64: {  	_ =	shalt  }
0x65: {  	_ =	shalt  }
0x66: {  	_ =	shalt  }
0x67: {  	_ =	shalt  }
0x68: {  	_ =	shalt  }
0x69: {  	_ =	shalt  }
0x6a: {  	_ =	shalt  }
0x6b: {  	_ =	shalt  }
0x6c: {  	_ =	shalt  }
0x6d: {  	_ =	shalt  }
0x6e: {  	_ =	shalt  }
0x6f: {  	_ =	shalt  }
0x70: {  	_ =	shalt  }
0x71: {  	_ =	shalt  }
0x72: {  	_ =	shalt  }
0x73: {  	_ =	shalt  }
0x74: {  	_ =	shalt  }
0x75: {  	_ =	shalt  }
0x76: {  	_ =	shalt  }
0x77: {  	_ =	shalt  }
0x78: {  	_ =	shalt  }
0x79: {  	_ =	shalt  }
0x7a: {  	_ =	shalt  }
0x7b: {  	_ =	shalt  }
0x7c: {  	_ =	shalt  }
0x7d: {  	_ =	shalt  }
0x7e: {  	_ =	shalt  }
0x7f: {  	_ =	shalt  }
0x80: {  	_ =	shalt  }
0x81: {  	_ =	shalt  }
0x82: {  	_ =	shalt  }
0x83: {  	_ =	shalt  }
0x84: {  	_ =	shalt  }
0x85: {  	_ =	shalt  }
0x86: {  	_ =	shalt  }
0x87: {  	_ =	shalt  }
.Lfunc_end0:
.L_simem_size_0:
called_computation.1_lowered:
.L_overlay_start_0:
0x88: {  	s2 =	sld [smem:$0x3FD9]  }
0x89: {  	s3 =	sld [smem:$0x3FFE];
	_ =	sdelay $0x1  }
0x8a: {  	s1 =	srdreg.scid  }
0x8b: {  	s0 =	sand.u32 $0x1, s1  }
0x8c: {  	s17 =	sshll.u32 s0, $0xA;
	s2 =	sadd.s32 s3, s2  }
0x8d: {  	s2 =	sadd.s32 s2, s17  }
0x8e: {  	[smem:$0x3FB8] =	sst s2  }
0x8f: {  	_ = 	snop  }
0x90: {  	s2 =	sld [smem:$0x3FD0];
	(tm) =	ssettm $0x1  }
0x91: {  	s18 =	sld [smem:$0x3FFB];
	_ =	sdelay $0x3  }
0x92: {  	_ =	strace s18  }
0x93: {  	s3 =	sld [smem:$0x3FFC];
	_ =	sdelay $0x3  }
0x94: {  	_ =	strace s3  }
0x95: {  	s3 =	sld [smem:$0x3FFD];
	_ =	sdelay $0x3  }
0x96: {  	_ =	strace s3  }
0x97: {  	_ =	strace $0x8FFFFFFF  }
0x98: {  	s19 =	sld [smem:$0x3FDB];
	_ =	sdelay $0x1  }
0x99: {  	s4 =	simm.s32 $_scs_section_size  }
0x9a: {  	s5 =	simm.s32 $_size__tile_overlayer_lowered;
	s6 =	simm.s32 $_tile_overlayer_lowered  }
0x9b: {  	s22 =	simm.s32 $0x1BFF;
	s21 =	sshll.u32 s6, $0x1;
	s3 =	sadd.s32 s4, s19  }
0x9c: {  	s7 =	simm.s32 $0x0;
	s20 =	sshll.u32 s5, $0x1;
	s5 =	sadd.s32 s21, s3  }
0x9d: {  	[timem:s7], [sflag:s22] =	dma.local [hbm:s5], s20  }
0x9e: {  	_ =	swait.ge [sflag:s22], s20  }
0x9f: {  	s4 =	ssub.s32 $0x0, s20;
	[sflag:s22] =	ssyncset.done $0x0  }
0xa0: {  	[sflag:s22] =	ssyncadd.s32 s4;
	_ =	sdelay $0x1  }
0xa1: {  	s23 =	simm.s32 $0x1B8B  }
0xa2: {  	_ =	swait.ge [sflag:s23], $0x1  }
0xa3: {  	[sflag:s23] =	ssyncset.done $0x0  }
0xa4: {  	s25 =	simm.s32 $0x1B8E;
	s24 =	sld [smem:$0x3FFE];
	[sflag:s23] =	ssyncadd.s32 $0xFFFFFFFF  }
0xa5: {  	s26 =	simm.s32 $execute0_lowered;
	[smem:$0x3FD2] =	sst s25  }
0xa6: {  	s5 =	sshll.u32 s26, $0x1;
	_ =	strace $0x80000049;
	[dreg:$0x1] =	wrdreg $0xFFFFFFFF  }
0xa7: {  	s28 =	simm.s32 $_size_execute0_lowered;
	s3 =	sadd.s32 s3, s5;
	[dreg:$0x0] =	wrdreg $0x0  }
0xa8: {  	s5 =	sshll.u32 s28, $0x1;
	[dreg:$0x2] =	wrdreg s3  }
0xa9: {  	[dreg:$0x3] =	wrdreg s5  }
0xaa: {  	[dreg:$0x4] =	wrdreg $0xC0  }
0xab: {  	_ =	task [dreg:s7], $0x5FFFF  }
0xac: {  	[dreg:$0x1] =	wrdreg $0xFFFFFFFF  }
0xad: {  	[dreg:$0x0] =	wrdreg $0x60  }
0xae: {  	[dreg:$0x2] =	wrdreg s24  }
0xaf: {  	[dreg:$0x3] =	wrdreg s2  }
0xb0: {  	[dreg:$0x4] =	wrdreg $0x37800  }
0xb1: {  	[dreg:$0x5] =	wrdreg $0x9  }
0xb2: {  	_ =	task.clear_ibuf [dreg:s7], $0x6FFFF;
	_ =	strace $0x90000049  }
0xb3: {  	s29 =	simm.s32 $0x9;
	_ =	strace $0x8000004B  }
0xb4: {  	_ =	swait.ge [sflag:s29], $0x1  }
0xb5: {  	[sflag:s29] =	ssyncadd.s32 $0xFFFFFFFF  }
0xb6: {  	_ =	strace $0x9000004B  }
0xb7: {  	_ =	sfence  }
0xb8: {  	s30 =	sld [smem:$0x0];
	_ =	sdelay $0x2  }
0xb9: {  	s31 =	sshll.u32 s1, $0xD;
	s1 =	sshrl.u32 s1, $0x2  }
0xba: {  	s3 =	sand.u32 $0x4000, s31;
	s1 =	sadd.s32 s1, s30  }
0xbb: {  	s0 =	sor.u32 s3, s0;
	s1 =	sshll.u32 s1, $0x11  }
0xbc: {  	s0 =	sor.u32 s1, s0  }
0xbd: {  	s0 =	sadd.s32 $0x8F2B, s0  }
0xbe: {  	[sflag:s0] =	ssyncadd.remote.s32 $0x1  }
0xbf: {  	_ =	sfence.sel $0xFFFF  }
0xc0: {  	[dreg:$0x0] =	wrdreg $0xFFFFFFFF;
	(pc) =	sbr.abs _section_cstart, $3  }
0xc1: {  	[dreg:$0x1] =	wrdreg $0xFFFFFFFF  }
0xc2: {  	_ =	task.clear_ibuf [dreg:s7], $0x2FFFF;
	_ =	strace $0x9FFFFFFF  }
0xc3: {  	(tm) =	ssettm $0x7FFFFFFF  }
tec
execute0_lowered:
.L_overlay_start_1:
0x0: {  	(tag) =	ssettag $0x1  }
0x1: {  	s3 =	rddreg [dreg:$0x0]  }
0x2: {  	s5 =	rddreg [dreg:$0x1]  }
0x3: {  	s1 =	rddreg [dreg:$0x2]  }
0x4: {  	s0 =	rddreg [dreg:$0x3];
	s6 =	stileid.u32  }
0x5: {  	s4 =	srdreg.scid;
	s2 =	simm.s32 $0x0;
	s13 =	simm.s32 $0x2  }
0x6: {  	s14 =	simm.s32 $0x0;
	s4 =	sand.u32 $0x1, s4;
	s7 =	sshll.u32 s6, $0x1  }
0x7: {  	[smem:$0x7FF] =	sst s2;
	s8 =	smul.u32 $0x13C00, s6;
	p0 =	sne.s32 s6, $0x0  }
0x8: {  	s7 =	sor.u32 s4, s7;
	s9 =	ssub.s32 $0x2, s4;
	s10 =	smul.u32 $0x9C40, s4  }
0x9: {  	_ =	strace $0x8000004A;
	s12 =	smul.u32 $0x9E00, s4;
	s11 =	sshrl.u32 s9, $0x1  }
0xa: {  	s7 =	smul.u32 $0x4F0, s7;
	s8 =	sadd.s32 s8, s3;
	s9 =	ssub.s32 s9, s11  }
0xb: {  	s5 =	sadd.s32 s5, s10;
	s31 =	sadd.s32 s12, s8;
	s8 =	sshrl.u32 @!p0 s1, $0x3  }
0xc: {  	s10 =	simm.s32 $0x2780;
	s11 =	simm.s32 $0x1;
	s12 =	simm.s32 $0x80  }
0xd: {  	s7 =	sadd.s32 s7, s3;
	s3 =	sadd.s32 $0x4200, s3;
	s6 =	smax.u32 s9, $0x1  }
0xe: {  	s9 =	simm.s32 $0x3;
	s4 =	sadd.s32 $0x17C00, s7;
	s7 =	sadd.s32 $0x299A00, s31  }
.LBB2_1:
0xf: {  	s15 =	simm.s32 @!p0 $0x1C03  }
0x10: {  	[spmem:s8], [sflag:s15] =	dma.local @!p0 [hbm:s3], $0x9C40  }
0x11: {  	s15 =	simm.s32 @!p0 $0x3  }
0x12: {  	_ =	swait.ge @!p0 [sflag:s15], $0x9C40  }
0x13: {  	[sflag:s15] =	ssyncset.done @!p0 $0x0  }
0x14: {  	[sflag:s15] =	ssyncadd.s32 @!p0 $0xFFFF63C0  }
0x15: {  	[bflag:$0x0] =	sbarrier.arrive $0xFFFF  }
0x16: {  	[tilespmem:s2], [sflag:$0x3] =	stream.linear.gather [hbm4b:s4+s2], $0x2780, $0x38;
	[tilespmem:$0x85A0] =	vst v63  }
0x17: {  	_ =	swait.ge [sflag:s9], $0x2780  }
0x18: {  	[sflag:s9] =	ssyncset.done $0x0  }
0x19: {  	s30 =	sadd.s32 $0x0, s7;
	[sflag:s9] =	ssyncadd.s32 $0xFFFFD880  }
0x1a: {  	[tilespmem:s10], [sflag:$0x1] =	stream.linear.gather [hbm4b:s30+s2], $0x1000, $0x38;
	[tilespmem:$0x85A0] =	vst v63  }
0x1b: {  	_ =	swait.ge [sflag:s11], $0x1000  }
0x1c: {  	[sflag:s11] =	ssyncset.done $0x0  }
0x1d: {  	s31 =	simm.s32 $0x0;
	[sflag:s11] =	ssyncadd.s32 $0xFFFFF000  }
0x1e: {  	[spmem:s1] =	stream.indirect.scatter.add.f32 [tilespmem:s10], [sflag:$0x2], $0x20, s31, s12, $0xb8;
	[tilespmem:$0x85A0] =	vst v63  }
0x1f: {  	_ =	swait.ge [sflag:s13], $0x1000  }
0x20: {  	s16 =	simm.s32 $0x400;
	s15 =	simm.s32 $0x200;
	[sflag:s13] =	ssyncset.done $0x0  }
.LBB2_2:
0x21: {  	s17 =	sadd.s32 s15, s7  }
0x22: {  	[sflag:s13] =	ssyncadd.s32 $0xFFFFF000;
	s18 =	smov.u32 s16;
	s19 =	sadd.s32 $0x200, s16  }
0x23: {  	[tilespmem:s10], [sflag:$0x1] =	stream.linear.gather [hbm4b:s17+s2], $0x1000, $0x38;
	[tilespmem:$0x85A0] =	vst v63  }
0x24: {  	p1 =	sne.s32 s16, $0x9C00;
	_ =	swait.ge [sflag:s11], $0x1000  }
.Ltmp0:
0x25: {  	[sflag:s11] =	ssyncset.done $0x0;
	(pc) =	sbr.rel @p1 .LBB2_2-.Ltmp0, $4  }
0x26: {  	s16 =	sshra.s32 s15, $0x2;
	s15 =	smov.u32 s18;
	[sflag:s11] =	ssyncadd.s32 $0xFFFFF000  }
0x27: {  	[spmem:s1] =	stream.indirect.scatter.add.f32 [tilespmem:s10], [sflag:$0x2], $0x20, s16, s12, $0xb8;
	[tilespmem:$0x85A0] =	vst v63  }
0x28: {  	_ =	swait.ge [sflag:s13], $0x1000  }
0x29: {  	s16 =	smov.u32 s19;
	[sflag:s13] =	ssyncset.done $0x0  }
0x2a: {  	s16 =	sadd.s32 s15, s7;
	[sflag:s13] =	ssyncadd.s32 $0xFFFFF000  }
0x2b: {  	[tilespmem:s10], [sflag:$0x1] =	stream.linear.gather [hbm4b:s16+s2], $0x1000, $0x38;
	[tilespmem:$0x85A0] =	vst v63  }
0x2c: {  	_ =	swait.ge [sflag:s11], $0x1000  }
0x2d: {  	[sflag:s11] =	ssyncset.done $0x0  }
0x2e: {  	s31 =	sshra.s32 s15, $0x2;
	[sflag:s11] =	ssyncadd.s32 $0xFFFFF000  }
0x2f: {  	[spmem:s1] =	stream.indirect.scatter.add.f32 [tilespmem:s10], [sflag:$0x2], $0x20, s31, s12, $0xb8;
	[tilespmem:$0x85A0] =	vst v63  }
0x30: {  	_ =	swait.ge [sflag:s13], $0x1000  }
0x31: {  	[sflag:s13] =	ssyncset.done $0x0  }
0x32: {  	s14 =	sadd.s32 $0x1, s14;
	[sflag:s13] =	ssyncadd.s32 $0xFFFFF000  }
0x33: {  	s15 =	simm.s32 @!p0 $0x1C03;
	p1 =	sne.s32 s14, s6;
	[bflag:$0x0] =	sbarrier.arrive $0xFFFF  }
0x34: {  	[hbm:s5], [sflag:s15] =	dma.local @!p0 [spmem:s8], $0x9C40  }
.Ltmp1:
0x35: {  	_ = 	snop;
	(pc) =	sbr.rel @p1 .LBB2_1-.Ltmp1, $4  }
0x36: {  	s15 =	simm.s32 @!p0 $0x3  }
0x37: {  	_ =	swait.ge @!p0 [sflag:s15], $0x9C40  }
0x38: {  	[sflag:s15] =	ssyncset.done @!p0 $0x0  }
0x39: {  	[sflag:s15] =	ssyncadd.s32 @!p0 $0xFFFF63C0  }
0x3a: {  	_ =	sfence.sel $0x180000  }
0x3b: {  	[bflag:$0x0] =	sbarrier.arrive $0xFFFF  }
0x3c: {  	_ =	strace $0x9000004A  }
0x3d: {  	s0 =	sadd.s32 @!p0 $0x100000, s0;
	[bflag:$0x2] =	sbarrier.arrive $0xFFFF  }
0x3e: {  	[sflag:s0] =	ssyncadd.tile.s32 @!p0 $0x1;
	_ =	shalt  }
.Lfunc_end2:
_tile_overlayer_lowered:
.L_overlay_start_2:
0x3f: {  	(tag) =	ssettag $0x2  }
0x40: {  	s0 =	rddreg [dreg:$0x0];
	s2 =	stileid.u32  }
0x41: {  	s1 =	rddreg [dreg:$0x1];
	p0 =	sne.s32 s2, $0x0  }
0x42: {  	s3 =	rddreg [dreg:$0x2];
	[bflag:$0x3] =	sbarrier.arrive $0xFFFF;
	s2 =	simm.s32 @!p0 $0x1C03  }
0x43: {  	[timem:s3], [sflag:s2] =	dma.local @!p0 [hbm:s0], s1  }
0x44: {  	s0 =	simm.s32 @!p0 $0x3  }
0x45: {  	_ =	swait.ge @!p0 [sflag:s0], s1  }
0x46: {  	s1 =	ssub.s32 @!p0 $0x0, s1;
	[sflag:s0] =	ssyncset.done @!p0 $0x0  }
0x47: {  	[sflag:s0] =	ssyncadd.s32 @!p0 s1  }
0x48: {  	[bflag:$0x3] =	sbarrier.arrive $0xFFFF  }
0x49: {  	_ =	shalt  }

// kernel: kernel.7.cloned.1.call-start
scs
__scs_entry_jumppad:
0x0: {  	(pc) =	sbr.rel $0x88, $3  }
0x1: {  	(tag) =	ssettag $0x0;
	lr =	simm.s32 $0x1  }
0x2: {  	[smem:$0x3F91] =	sst lr;
	_ =	strace $0xD0000000  }
0x3: {  	_ = 	snop  }
0x4: {  	_ = 	snop  }
0x5: {  	_ = 	snop  }
0x6: {  	_ = 	snop  }
0x7: {  	_ = 	snop  }
__scs_overlays_trampoline_lowered:
0x8: {  	[smem:$0x3FA0] =	sst s0  }
0x9: {  	[smem:$0x3FA1] =	sst s1  }
0xa: {  	[smem:$0x3FA2] =	sst s2  }
0xb: {  	[smem:$0x3FA3] =	sst s3  }
0xc: {  	[smem:$0x3FA4] =	sst s4  }
0xd: {  	[smem:$0x3FA5] =	sst s5  }
0xe: {  	[smem:$0x3FA6] =	sst s6  }
0xf: {  	[smem:$0x3FA7] =	sst s7  }
0x10: {  	[smem:$0x3FA8] =	sst s8  }
0x11: {  	[smem:$0x3FA9] =	sst s9;
	s0 =	simm.s32 @!p0 $0x0  }
0x12: {  	s1 =	sld [smem:$0x3F8F];
	s0 =	simm.s32 @p0 $0x1  }
0x13: {  	[smem:$0x3FAA] =	sst s0;
	s0 =	simm.s32 @!p1 $0x0  }
0x14: {  	s2 =	sld [smem:$0x3F8E];
	s0 =	simm.s32 @p1 $0x1  }
0x15: {  	[smem:$0x3FAB] =	sst s0;
	s0 =	simm.s32 @!p2 $0x0  }
0x16: {  	s3 =	sld [smem:$0x3FDB];
	s0 =	simm.s32 @p2 $0x1  }
0x17: {  	s4 =	simm.s32 $0x1BF5;
	[smem:$0x3FAD] =	sst s0  }
0x18: {  	s0 =	sld [smem:$0x3F90];
	_ =	swait.ge [sflag:s4], $0x0  }
0x19: {  	s7 =	sld [smem:$0x3F91]  }
0x1a: {  	s8 =	sadd.s32 $0xFFFFE003, lr  }
0x1b: {  	s9 =	sadd.s32 $0xFFFFFEF7, lr;
	s5 =	simm.s32 $0xFFFFFFFF;
	p2 =	slt.u32 s8, $0xFFFFF086  }
0x1c: {  	p1 =	slt.u32 s9, $0xF7A;
	s5 =	simm.s32 @!p2 $0x0  }
0x1d: {  	s5 =	simm.s32 @p1 $0x1;
	p0 =	seq.s32 s7, s2  }
0x1e: {  	s7 =	smul.u32 @!p0 $0xF7A, s2;
	p2 =	seq.s32 @!p0 s5, $0x0  }
0x1f: {  	s9 =	smul.u32 $0xF7A, s1;
	s8 =	simm.s32 @!p0 $0x1BF5;
	p2 =	por !p2, p0  }
0x20: {  	[sflag:s8] =	ssyncset.s32 @!p0 $0xFFFFF086;
	s6 =	sadd.s32 @!p0 s3, s7;
	s7 =	simm.s32 @!p0 $0x108  }
0x21: {  	s3 =	sadd.s32 s3, s9;
	s6 =	sadd.s32 @!p0 $0x88, s6;
	s7 =	simm.s32 @p2 $0x1082  }
0x22: {  	[simem:s7], [sflag:s8] =	dma.local @!p0 [hbm:s6], $0xF7A  }
0x23: {  	s9 =	sor.u32 $0xD0000000, s2;
	s6 =	simm.s32 $0x108;
	_ =	swait.ge @!p0 [sflag:s8], $0x0  }
0x24: {  	s3 =	sadd.s32 $0x88, s3;
	s6 =	simm.s32 @!p1 $0x1082;
	[sflag:s4] =	ssyncset.s32 $0xFFFFF086  }
0x25: {  	[simem:s6], [sflag:s4] =	dma.local [hbm:s3], $0xF7A  }
0x26: {  	[smem:$0x3F91] =	sst s1;
	(tag) =	ssettag s2;
	_ =	strace s9  }
0x27: {  	s1 =	sld [smem:$0x3FA1]  }
0x28: {  	s2 =	sld [smem:$0x3FA2]  }
0x29: {  	s4 =	sld [smem:$0x3FA4]  }
0x2a: {  	p0 =	seq.s32 s5, $0x0;
	s5 =	sld [smem:$0x3FA5]  }
0x2b: {  	s6 =	sld [smem:$0x3FA6]  }
0x2c: {  	s7 =	sld [smem:$0x3FA7]  }
0x2d: {  	s3 =	simm.s32 $0x108;
	s8 =	sld [smem:$0x3FA8]  }
0x2e: {  	s3 =	simm.s32 @!p0 $0x1082;
	s9 =	sld [smem:$0x3FA9]  }
0x2f: {  	lr =	sadd.s32 s0, s3;
	s0 =	sld [smem:$0x3FA0]  }
0x30: {  	s3 =	sld [smem:$0x3FA3]  }
0x31: {  	[smem:$0x3FAC] =	sst s10  }
0x32: {  	s10 =	sld [smem:$0x3FAA];
	_ =	sdelay $0x3  }
0x33: {  	p0 =	seq.s32 s10, $0x1;
	s10 =	sld [smem:$0x3FAC];
	_ =	sdelay $0x3  }
0x34: {  	[smem:$0x3FAC] =	sst s10  }
0x35: {  	s10 =	sld [smem:$0x3FAB];
	_ =	sdelay $0x3  }
0x36: {  	p1 =	seq.s32 s10, $0x1;
	s10 =	sld [smem:$0x3FAC];
	_ =	sdelay $0x3  }
0x37: {  	[smem:$0x3FAC] =	sst s10  }
0x38: {  	s10 =	sld [smem:$0x3FAD]  }
0x39: {  	_ = 	snop;
	(pc) =	sbr.ind lr, $3  }
0x3a: {  	_ = 	snop  }
0x3b: {  	_ = 	snop  }
0x3c: {  	p2 =	seq.s32 s10, $0x1;
	s10 =	sld [smem:$0x3FAC]  }
0x3d: {  	_ =	shalt  }
0x3e: {  	_ =	shalt  }
0x3f: {  	_ =	shalt  }
0x40: {  	_ =	shalt  }
0x41: {  	_ =	shalt  }
0x42: {  	_ =	shalt  }
0x43: {  	_ =	shalt  }
0x44: {  	_ =	shalt  }
0x45: {  	_ =	shalt  }
0x46: {  	_ =	shalt  }
0x47: {  	_ =	shalt  }
0x48: {  	_ =	shalt  }
0x49: {  	_ =	shalt  }
0x4a: {  	_ =	shalt  }
0x4b: {  	_ =	shalt  }
0x4c: {  	_ =	shalt  }
0x4d: {  	_ =	shalt  }
0x4e: {  	_ =	shalt  }
0x4f: {  	_ =	shalt  }
0x50: {  	_ =	shalt  }
0x51: {  	_ =	shalt  }
0x52: {  	_ =	shalt  }
0x53: {  	_ =	shalt  }
0x54: {  	_ =	shalt  }
0x55: {  	_ =	shalt  }
0x56: {  	_ =	shalt  }
0x57: {  	_ =	shalt  }
0x58: {  	_ =	shalt  }
0x59: {  	_ =	shalt  }
0x5a: {  	_ =	shalt  }
0x5b: {  	_ =	shalt  }
0x5c: {  	_ =	shalt  }
0x5d: {  	_ =	shalt  }
0x5e: {  	_ =	shalt  }
0x5f: {  	_ =	shalt  }
0x60: {  	_ =	shalt  }
0x61: {  	_ =	shalt  }
0x62: {  	_ =	shalt  }
0x63: {  	_ =	shalt  }
0x64: {  	_ =	shalt  }
0x65: {  	_ =	shalt  }
0x66: {  	_ =	shalt  }
0x67: {  	_ =	shalt  }
0x68: {  	_ =	shalt  }
0x69: {  	_ =	shalt  }
0x6a: {  	_ =	shalt  }
0x6b: {  	_ =	shalt  }
0x6c: {  	_ =	shalt  }
0x6d: {  	_ =	shalt  }
0x6e: {  	_ =	shalt  }
0x6f: {  	_ =	shalt  }
0x70: {  	_ =	shalt  }
0x71: {  	_ =	shalt  }
0x72: {  	_ =	shalt  }
0x73: {  	_ =	shalt  }
0x74: {  	_ =	shalt  }
0x75: {  	_ =	shalt  }
0x76: {  	_ =	shalt  }
0x77: {  	_ =	shalt  }
0x78: {  	_ =	shalt  }
0x79: {  	_ =	shalt  }
0x7a: {  	_ =	shalt  }
0x7b: {  	_ =	shalt  }
0x7c: {  	_ =	shalt  }
0x7d: {  	_ =	shalt  }
0x7e: {  	_ =	shalt  }
0x7f: {  	_ =	shalt  }
0x80: {  	_ =	shalt  }
0x81: {  	_ =	shalt  }
0x82: {  	_ =	shalt  }
0x83: {  	_ =	shalt  }
0x84: {  	_ =	shalt  }
0x85: {  	_ =	shalt  }
0x86: {  	_ =	shalt  }
0x87: {  	_ =	shalt  }
.Lfunc_end0:
.L_simem_size_0:
called_computation_lowered:
.L_overlay_start_0:
0x88: {  	s2 =	sld [smem:$0x3FD9]  }
0x89: {  	s3 =	sld [smem:$0x3FFE];
	_ =	sdelay $0x1  }
0x8a: {  	s1 =	srdreg.scid  }
0x8b: {  	s0 =	sand.u32 $0x1, s1  }
0x8c: {  	s17 =	sshll.u32 s0, $0xA;
	s2 =	sadd.s32 s3, s2  }
0x8d: {  	s2 =	sadd.s32 s2, s17  }
0x8e: {  	[smem:$0x3FB8] =	sst s2  }
0x8f: {  	_ = 	snop  }
0x90: {  	s2 =	sld [smem:$0x3FD0];
	(tm) =	ssettm $0x1  }
0x91: {  	s18 =	sld [smem:$0x3FFB];
	_ =	sdelay $0x3  }
0x92: {  	_ =	strace s18  }
0x93: {  	s3 =	sld [smem:$0x3FFC];
	_ =	sdelay $0x3  }
0x94: {  	_ =	strace s3  }
0x95: {  	s3 =	sld [smem:$0x3FFD];
	_ =	sdelay $0x3  }
0x96: {  	_ =	strace s3  }
0x97: {  	_ =	strace $0x8FFFFFFF  }
0x98: {  	s19 =	sld [smem:$0x3FDB];
	_ =	sdelay $0x1  }
0x99: {  	s4 =	simm.s32 $_scs_section_size  }
0x9a: {  	s5 =	simm.s32 $_size__tile_overlayer_lowered;
	s6 =	simm.s32 $_tile_overlayer_lowered  }
0x9b: {  	s22 =	simm.s32 $0x1BFF;
	s21 =	sshll.u32 s6, $0x1;
	s3 =	sadd.s32 s4, s19  }
0x9c: {  	s7 =	simm.s32 $0x0;
	s20 =	sshll.u32 s5, $0x1;
	s5 =	sadd.s32 s21, s3  }
0x9d: {  	[timem:s7], [sflag:s22] =	dma.local [hbm:s5], s20  }
0x9e: {  	_ =	swait.ge [sflag:s22], s20  }
0x9f: {  	s4 =	ssub.s32 $0x0, s20;
	[sflag:s22] =	ssyncset.done $0x0  }
0xa0: {  	[sflag:s22] =	ssyncadd.s32 s4;
	_ =	sdelay $0x1  }
0xa1: {  	s23 =	simm.s32 $0x1B8B  }
0xa2: {  	_ =	swait.ge [sflag:s23], $0x1  }
0xa3: {  	[sflag:s23] =	ssyncset.done $0x0  }
0xa4: {  	s25 =	simm.s32 $0x1B8E;
	s24 =	sld [smem:$0x3FFE];
	[sflag:s23] =	ssyncadd.s32 $0xFFFFFFFF  }
0xa5: {  	s26 =	simm.s32 $execute0_lowered;
	[smem:$0x3FD2] =	sst s25  }
0xa6: {  	s5 =	sshll.u32 s26, $0x1;
	_ =	strace $0x80000046;
	[dreg:$0x1] =	wrdreg $0xFFFFFFFF  }
0xa7: {  	s28 =	simm.s32 $_size_execute0_lowered;
	s3 =	sadd.s32 s3, s5;
	[dreg:$0x0] =	wrdreg $0x0  }
0xa8: {  	s5 =	sshll.u32 s28, $0x1;
	[dreg:$0x2] =	wrdreg s3  }
0xa9: {  	[dreg:$0x3] =	wrdreg s5  }
0xaa: {  	[dreg:$0x4] =	wrdreg $0xC0  }
0xab: {  	_ =	task [dreg:s7], $0x5FFFF  }
0xac: {  	[dreg:$0x1] =	wrdreg $0xFFFFFFFF  }
0xad: {  	[dreg:$0x0] =	wrdreg $0x60  }
0xae: {  	[dreg:$0x2] =	wrdreg s2  }
0xaf: {  	[dreg:$0x3] =	wrdreg s24  }
0xb0: {  	[dreg:$0x4] =	wrdreg $0x9  }
0xb1: {  	_ =	task.clear_ibuf [dreg:s7], $0x5FFFF;
	_ =	strace $0x90000046  }
0xb2: {  	s29 =	simm.s32 $0x9;
	_ =	strace $0x80000048  }
0xb3: {  	_ =	swait.ge [sflag:s29], $0x1  }
0xb4: {  	[sflag:s29] =	ssyncadd.s32 $0xFFFFFFFF  }
0xb5: {  	_ =	strace $0x90000048  }
0xb6: {  	_ =	sfence  }
0xb7: {  	s30 =	sld [smem:$0x0];
	_ =	sdelay $0x2  }
0xb8: {  	s31 =	sshll.u32 s1, $0xD;
	s1 =	sshrl.u32 s1, $0x2  }
0xb9: {  	s3 =	sand.u32 $0x4000, s31;
	s1 =	sadd.s32 s1, s30  }
0xba: {  	s0 =	sor.u32 s3, s0;
	s1 =	sshll.u32 s1, $0x11  }
0xbb: {  	s0 =	sor.u32 s1, s0  }
0xbc: {  	s0 =	sadd.s32 $0x8F2B, s0  }
0xbd: {  	[sflag:s0] =	ssyncadd.remote.s32 $0x1  }
0xbe: {  	_ =	sfence.sel $0xFFFF  }
0xbf: {  	[dreg:$0x0] =	wrdreg $0xFFFFFFFF;
	(pc) =	sbr.abs _section_cstart, $3  }
0xc0: {  	[dreg:$0x1] =	wrdreg $0xFFFFFFFF  }
0xc1: {  	_ =	task.clear_ibuf [dreg:s7], $0x2FFFF;
	_ =	strace $0x9FFFFFFF  }
0xc2: {  	(tm) =	ssettm $0x7FFFFFFF  }
0xc3: {  	_ =	shalt  }
tec
execute0_lowered:
.L_overlay_start_1:
0x0: {  	(tag) =	ssettag $0x1  }
0x1: {  	s2 =	rddreg [dreg:$0x0]  }
0x2: {  	s5 =	rddreg [dreg:$0x1]  }
0x3: {  	s0 =	rddreg [dreg:$0x2];
	s1 =	stileid.u32  }
0x4: {  	s4 =	srdreg.scid;
	s3 =	simm.s32 $0x0;
	s11 =	simm.s32 $0x2  }
0x5: {  	s12 =	simm.s32 $0x4080;
	s13 =	simm.s32 $0x80;
	s14 =	simm.s32 $0x2000  }
0x6: {  	s15 =	simm.s32 $0x1;
	s16 =	simm.s32 $0x0;
	s7 =	smul.u32 $0x13C000, s1  }
0x7: {  	s6 =	sand.u32 $0x1, s4;
	[smem:$0x7FF] =	sst s3;
	s10 =	smul.u32 $0x9E0, s1  }
0x8: {  	s4 =	sadd.s32 $0x4200, s5;
	s8 =	smul.u32 $0x9E000, s6;
	s9 =	ssub.s32 $0x2, s6  }
0x9: {  	_ =	strace $0x80000047;
	s31 =	smul.u32 $0x4F0, s6;
	s30 =	sshrl.u32 s9, $0x1  }
0xa: {  	s10 =	sadd.s32 s10, s5;
	s7 =	sadd.s32 s8, s7;
	s8 =	ssub.s32 s9, s30  }
0xb: {  	s9 =	sadd.s32 s31, s10;
	s10 =	simm.s32 $0x4000;
	s7 =	sshrl.u32 s7, $0x3  }
0xc: {  	s7 =	sadd.s32 s7, s5;
	s5 =	smax.u32 s8, $0x1;
	s8 =	sadd.s32 $0x17C00, s9  }
0xd: {  	s9 =	sadd.s32 $0x21A00, s9;
	s6 =	sadd.s32 $0x2A3800, s7;
	s7 =	sadd.s32 $0x2B800, s7  }
.LBB2_1:
0xe: {  	s17 =	sadd.s32 $0x0, s9  }
0xf: {  	[tilespmem:s10], [sflag:$0x2] =	stream.linear.gather [hbm4b:s17+s3], $0x80, $0x38;
	[tilespmem:$0x4100] =	vst v63  }
0x10: {  	_ =	swait.ge [sflag:s11], $0x80  }
0x11: {  	[sflag:s11] =	ssyncset.done $0x0  }
0x12: {  	s31 =	sadd.s32 $0x0, s8;
	[sflag:s11] =	ssyncadd.s32 $0xFFFFFF80  }
0x13: {  	[tilespmem:s12], [sflag:$0x2] =	stream.linear.gather [hbm4b:s31+s3], $0x80, $0x38;
	[tilespmem:$0x4100] =	vst v63  }
0x14: {  	_ =	swait.ge [sflag:s11], $0x80  }
0x15: {  	[sflag:s11] =	ssyncset.done $0x0  }
0x16: {  	[sflag:s11] =	ssyncadd.s32 $0xFFFFFF80  }
0x17: {  	[tilespmem:s3], [sflag:$0x1] =	stream.indirect.gather [hbm4b:s2+s13], $0x40, s10, s13, $0xb8;
	[tilespmem:$0x4100] =	vst v63  }
0x18: {  	_ = 	snop  }
0x19: {  	[tilespmem:s14], [sflag:$0x1] =	stream.indirect.gather [hbm4b:s4+s13], $0x40, s12, s13, $0xb8;
	[tilespmem:$0x4100] =	vst v63  }
0x1a: {  	_ =	swait.ge [sflag:s15], $0x2000  }
0x1b: {  	[sflag:s15] =	ssyncset.done $0x0  }
0x1c: {  	[sflag:s15] =	ssyncadd.s32 $0xFFFFE000  }
0x1d: {  	_ =	swait.ge [sflag:s15], $0x2000  }
0x1e: {  	[sflag:s15] =	ssyncset.done $0x0  }
0x1f: {  	[sflag:s15] =	ssyncadd.s32 $0xFFFFE000  }
0x20: {  	[hbm4b:s7+s3] =	stream.linear.scatter [tilespmem:s3], [sflag:$0x2], $0x2000, $0x38;
	[tilespmem:$0x4100] =	vst v63  }
0x21: {  	_ =	swait.ge [sflag:s11], $0x2000  }
0x22: {  	[sflag:s11] =	ssyncset.done $0x0  }
0x23: {  	[sflag:s11] =	ssyncadd.s32 $0xFFFFE000  }
0x24: {  	[hbm4b:s6+s3] =	stream.linear.scatter [tilespmem:s14], [sflag:$0x2], $0x2000, $0x38;
	[tilespmem:$0x4100] =	vst v63  }
0x25: {  	s19 =	simm.s32 $0x10;
	s20 =	simm.s32 $0x20;
	_ =	swait.ge [sflag:s11], $0x2000  }
0x26: {  	s18 =	sadd.s32 $0x400, s7;
	s17 =	sadd.s32 $0x400, s6;
	[sflag:s11] =	ssyncset.done $0x0  }
.LBB2_2:
0x27: {  	s21 =	sadd.s32 s19, s9  }
0x28: {  	[sflag:s11] =	ssyncadd.s32 $0xFFFFE000;
	s22 =	smov.u32 s20;
	s23 =	sadd.s32 $0x10, s20  }
0x29: {  	[tilespmem:s10], [sflag:$0x2] =	stream.linear.gather [hbm4b:s21+s3], $0x80, $0x38;
	[tilespmem:$0x4100] =	vst v63  }
0x2a: {  	p0 =	sne.s32 s20, $0x4E0;
	_ =	swait.ge [sflag:s11], $0x80  }
0x2b: {  	[sflag:s11] =	ssyncset.done $0x0  }
0x2c: {  	s20 =	sadd.s32 s19, s8;
	s19 =	smov.u32 s22;
	[sflag:s11] =	ssyncadd.s32 $0xFFFFFF80  }
0x2d: {  	[tilespmem:s12], [sflag:$0x2] =	stream.linear.gather [hbm4b:s20+s3], $0x80, $0x38;
	[tilespmem:$0x4100] =	vst v63  }
0x2e: {  	_ =	swait.ge [sflag:s11], $0x80  }
0x2f: {  	[sflag:s11] =	ssyncset.done $0x0  }
0x30: {  	[sflag:s11] =	ssyncadd.s32 $0xFFFFFF80  }
0x31: {  	[tilespmem:s3], [sflag:$0x1] =	stream.indirect.gather [hbm4b:s2+s13], $0x40, s10, s13, $0xb8;
	[tilespmem:$0x4100] =	vst v63  }
0x32: {  	_ = 	snop  }
0x33: {  	[tilespmem:s14], [sflag:$0x1] =	stream.indirect.gather [hbm4b:s4+s13], $0x40, s12, s13, $0xb8;
	[tilespmem:$0x4100] =	vst v63  }
0x34: {  	_ =	swait.ge [sflag:s15], $0x2000  }
0x35: {  	[sflag:s15] =	ssyncset.done $0x0  }
0x36: {  	[sflag:s15] =	ssyncadd.s32 $0xFFFFE000  }
0x37: {  	_ =	swait.ge [sflag:s15], $0x2000  }
0x38: {  	[sflag:s15] =	ssyncset.done $0x0  }
0x39: {  	[sflag:s15] =	ssyncadd.s32 $0xFFFFE000  }
0x3a: {  	[hbm4b:s18+s3] =	stream.linear.scatter [tilespmem:s3], [sflag:$0x2], $0x2000, $0x38;
	[tilespmem:$0x4100] =	vst v63  }
0x3b: {  	_ =	swait.ge [sflag:s11], $0x2000  }
.Ltmp0:
0x3c: {  	[sflag:s11] =	ssyncset.done $0x0;
	(pc) =	sbr.rel @p0 .LBB2_2-.Ltmp0, $4  }
0x3d: {  	[sflag:s11] =	ssyncadd.s32 $0xFFFFE000  }
0x3e: {  	[hbm4b:s17+s3] =	stream.linear.scatter [tilespmem:s14], [sflag:$0x2], $0x2000, $0x38;
	[tilespmem:$0x4100] =	vst v63  }
0x3f: {  	s20 =	smov.u32 s23;
	_ =	swait.ge [sflag:s11], $0x2000  }
0x40: {  	s18 =	sadd.s32 $0x400, s18;
	s17 =	sadd.s32 $0x400, s17;
	[sflag:s11] =	ssyncset.done $0x0  }
0x41: {  	s20 =	sadd.s32 s19, s9;
	[sflag:s11] =	ssyncadd.s32 $0xFFFFE000  }
0x42: {  	[tilespmem:s10], [sflag:$0x2] =	stream.linear.gather [hbm4b:s20+s3], $0x80, $0x38;
	[tilespmem:$0x4100] =	vst v63  }
0x43: {  	_ =	swait.ge [sflag:s11], $0x80  }
0x44: {  	[sflag:s11] =	ssyncset.done $0x0  }
0x45: {  	s31 =	sadd.s32 s19, s8;
	[sflag:s11] =	ssyncadd.s32 $0xFFFFFF80  }
0x46: {  	[tilespmem:s12], [sflag:$0x2] =	stream.linear.gather [hbm4b:s31+s3], $0x80, $0x38;
	[tilespmem:$0x4100] =	vst v63  }
0x47: {  	_ =	swait.ge [sflag:s11], $0x80  }
0x48: {  	[sflag:s11] =	ssyncset.done $0x0  }
0x49: {  	[sflag:s11] =	ssyncadd.s32 $0xFFFFFF80  }
0x4a: {  	[tilespmem:s3], [sflag:$0x1] =	stream.indirect.gather [hbm4b:s2+s13], $0x40, s10, s13, $0xb8;
	[tilespmem:$0x4100] =	vst v63  }
0x4b: {  	_ = 	snop  }
0x4c: {  	[tilespmem:s14], [sflag:$0x1] =	stream.indirect.gather [hbm4b:s4+s13], $0x40, s12, s13, $0xb8;
	[tilespmem:$0x4100] =	vst v63  }
0x4d: {  	_ =	swait.ge [sflag:s15], $0x2000  }
0x4e: {  	[sflag:s15] =	ssyncset.done $0x0  }
0x4f: {  	[sflag:s15] =	ssyncadd.s32 $0xFFFFE000  }
0x50: {  	_ =	swait.ge [sflag:s15], $0x2000  }
0x51: {  	[sflag:s15] =	ssyncset.done $0x0  }
0x52: {  	[sflag:s15] =	ssyncadd.s32 $0xFFFFE000  }
0x53: {  	[hbm4b:s18+s3] =	stream.linear.scatter [tilespmem:s3], [sflag:$0x2], $0x2000, $0x38;
	[tilespmem:$0x4100] =	vst v63  }
0x54: {  	s16 =	sadd.s32 $0x1, s16;
	_ =	swait.ge [sflag:s11], $0x2000  }
0x55: {  	p0 =	sne.s32 s16, s5;
	[sflag:s11] =	ssyncset.done $0x0  }
.Ltmp1:
0x56: {  	[sflag:s11] =	ssyncadd.s32 $0xFFFFE000;
	(pc) =	sbr.rel @p0 .LBB2_1-.Ltmp1, $4  }
0x57: {  	[hbm4b:s17+s3] =	stream.linear.scatter [tilespmem:s14], [sflag:$0x2], $0x2000, $0x38;
	[tilespmem:$0x4100] =	vst v63  }
0x58: {  	_ =	swait.ge [sflag:s11], $0x2000  }
0x59: {  	[sflag:s11] =	ssyncset.done $0x0  }
0x5a: {  	[sflag:s11] =	ssyncadd.s32 $0xFFFFE000  }
0x5b: {  	_ =	sfence.sel $0x180000  }
0x5c: {  	[bflag:$0x0] =	sbarrier.arrive $0xFFFF  }
0x5d: {  	p0 =	sne.s32 s1, $0x0;
	_ =	strace $0x90000047  }
0x5e: {  	s0 =	sadd.s32 @!p0 $0x100000, s0;
	[bflag:$0x2] =	sbarrier.arrive $0xFFFF  }
0x5f: {  	[sflag:s0] =	ssyncadd.tile.s32 @!p0 $0x1;
	_ =	shalt  }
.Lfunc_end2:
_tile_overlayer_lowered:
.L_overlay_start_2:
0x60: {  	(tag) =	ssettag $0x2  }
0x61: {  	s0 =	rddreg [dreg:$0x0];
	s2 =	stileid.u32  }
0x62: {  	s1 =	rddreg [dreg:$0x1];
	p0 =	sne.s32 s2, $0x0  }
0x63: {  	s3 =	rddreg [dreg:$0x2];
	[bflag:$0x3] =	sbarrier.arrive $0xFFFF;
	s2 =	simm.s32 @!p0 $0x1C02  }
0x64: {  	[timem:s3], [sflag:s2] =	dma.local @!p0 [hbm:s0], s1  }
0x65: {  	s0 =	simm.s32 @!p0 $0x2  }
0x66: {  	_ =	swait.ge @!p0 [sflag:s0], s1  }
0x67: {  	s1 =	ssub.s32 @!p0 $0x0, s1;
	[sflag:s0] =	ssyncset.done @!p0 $0x0  }
0x68: {  	[sflag:s0] =	ssyncadd.s32 @!p0 s1  }
0x69: {  	[bflag:$0x3] =	sbarrier.arrive $0xFFFF  }
0x6a: {  	_ =	shalt  }

</sc_bundles>
